<compile_context>
chip_gen: v7x
topology: tpu7x:2x2x1
jax: 0.10.2.dev20260603
libtpu: 0.0.44.dev20260713+nightly
codegen_flags: <defaults>
</compile_context>

<pallas_src>
import functools

import jax
import jax.numpy as jnp
from jax import lax
from jax.experimental import pallas as pl
from jax.experimental.pallas import tpu as pltpu
from jax.experimental.pallas import tpu_sc as plsc



_TILES = 16


def _seg_geometry(n_edges: int, edge_split: bool):
    n_workers = 2 * _TILES if edge_split else _TILES
    chunk = 120
    pnch = 28
    ep = n_edges // n_workers
    step = chunk * pnch
    ep_pad = -(-ep // step) * step
    phases = ep_pad // step
    return n_workers, chunk, ep_pad, phases, pnch


def _pad_idx(a, n_workers, ep_pad, n_mod, base):
    ep = a.shape[0] // n_workers
    a2 = a.reshape(n_workers, ep)
    pad = ep_pad - ep
    if pad == 0:
        return a2
    ii = lax.broadcasted_iota(jnp.int32, (n_workers, pad), 0)
    jj = lax.broadcasted_iota(jnp.int32, (n_workers, pad), 1)
    if base is None:
        padv = (ii * 37 + jj) % n_mod
    else:
        padv = base + ((ii + jj) % 16)
    return jnp.concatenate([a2, padv], axis=1)


@functools.lru_cache(maxsize=None)
def _make_seg_sum(n_nodes: int, n_edges: int, width: int, edge_split: bool):
    n_workers, chunk, ep_pad, phases, pnch = _seg_geometry(n_edges,
                                                           edge_split)
    nch = phases * pnch
    n_acc = -(-n_nodes // 128) * 128
    rpt = n_acc // _TILES
    assert rpt % 8 == 0 and n_acc >= n_nodes + 16

    mesh = plsc.VectorSubcoreMesh(core_axis_name="c", subcore_axis_name="s")

    @functools.partial(
        pl.kernel,
        out_type=[
            jax.ShapeDtypeStruct((n_acc, width), jnp.float32),
            jax.ShapeDtypeStruct((n_acc, width), jnp.float32),
        ],
        mesh=mesh,
        scratch_types=[
            pltpu.VMEM((pnch, chunk), jnp.int32),
            pltpu.VMEM((pnch, chunk), jnp.int32),
            pltpu.VMEM((chunk, width), jnp.float32),
            pltpu.VMEM((chunk, width), jnp.float32),
            pltpu.VMEM_SHARED((n_acc, width), jnp.float32),
            pltpu.SemaphoreType.DMA,
            pltpu.SemaphoreType.DMA,
        ],
    )
    def seg_kernel(hview, src_hbm, dst_hbm, zero_hbm, out_lo, out_hi,
                   src_v, dst_v, gb0, gb1, accum, sem0, sem1):
        c = lax.axis_index("c")
        s = lax.axis_index("s")
        w = c * _TILES + s if edge_split else s

        pltpu.sync_copy(zero_hbm, accum.at[pl.ds(s * rpt, rpt)])
        plsc.subcore_barrier()

        def _phase(p, _):
            if edge_split:
                pltpu.sync_copy(src_hbm.at[w, p], src_v)
            else:
                pltpu.sync_copy(src_hbm.at[c, s, p], src_v)
            pltpu.sync_copy(dst_hbm.at[w, p], dst_v)

            pltpu.async_copy(hview.at[src_v.at[0]], gb0, sem0)
            pltpu.async_copy(hview.at[src_v.at[1]], gb1, sem1)

            def _body(kk, _):
                c0 = 2 * kk
                c1 = c0 + 1
                pltpu.make_async_copy(hview.at[src_v.at[c0]], gb0,
                                      sem0).wait()
                pltpu.sync_copy(gb0, accum.at[dst_v.at[c0]], add=True)
                nxt0 = jnp.minimum(c0 + 2, pnch - 1)
                pltpu.async_copy(hview.at[src_v.at[nxt0]], gb0, sem0)
                pltpu.make_async_copy(hview.at[src_v.at[c1]], gb1,
                                      sem1).wait()
                pltpu.sync_copy(gb1, accum.at[dst_v.at[c1]], add=True)
                nxt1 = jnp.minimum(c1 + 2, pnch - 1)
                pltpu.async_copy(hview.at[src_v.at[nxt1]], gb1, sem1)
                return 0

            lax.fori_loop(0, pnch // 2, _body, 0)
            pltpu.make_async_copy(hview.at[src_v.at[0]], gb0, sem0).wait()
            pltpu.make_async_copy(hview.at[src_v.at[0]], gb1, sem1).wait()
            return 0

        lax.fori_loop(0, phases, _phase, 0)
        plsc.subcore_barrier()

        @pl.when(c == 0)
        def _():
            pltpu.sync_copy(accum.at[pl.ds(s * rpt, rpt)],
                            out_lo.at[pl.ds(s * rpt, rpt)])

        @pl.when(c == 1)
        def _():
            pltpu.sync_copy(accum.at[pl.ds(s * rpt, rpt)],
                            out_hi.at[pl.ds(s * rpt, rpt)])

    return seg_kernel



_ROWS = 1000


def _gin_mlp_body(h_ref, a0_ref, a1_ref, w1_ref, b1_ref, w2_ref, b2_ref,
                  o_ref, *, concat, d, hh):
    h = h_ref[...].reshape(_ROWS, d)
    if concat:
        a = h + jnp.concatenate([a0_ref[...], a1_ref[...]], axis=1)
    else:
        a = h + a0_ref[...] + a1_ref[...]
    z = jnp.dot(a, w1_ref[...], preferred_element_type=jnp.float32)
    z = jnp.maximum(z + b1_ref[...], 0.0)
    o = jnp.dot(z, w2_ref[...], preferred_element_type=jnp.float32)
    o = jnp.maximum(o + b2_ref[...], 0.0)
    o_ref[...] = o.reshape(o_ref.shape)


def _gin_mlp(h, a0, a1, w1f, b1f, w2, b2, concat):
    d = w1f.shape[0]
    hh = w2.shape[0]
    n = h.shape[0] * h.shape[1] // d
    aw = a0.shape[1]
    rh = _ROWS * d // 128
    ro = _ROWS * hh // 128
    grid = (n // _ROWS,)
    return pl.pallas_call(
        functools.partial(_gin_mlp_body, concat=concat, d=d, hh=hh),
        grid=grid,
        in_specs=[
            pl.BlockSpec((rh, 128), lambda i: (i, 0)),
            pl.BlockSpec((_ROWS, aw), lambda i: (i, 0)),
            pl.BlockSpec((_ROWS, aw), lambda i: (i, 0)),
            pl.BlockSpec((d, hh), lambda i: (0, 0)),
            pl.BlockSpec((1, hh), lambda i: (0, 0)),
            pl.BlockSpec((hh, hh), lambda i: (0, 0)),
            pl.BlockSpec((1, hh), lambda i: (0, 0)),
        ],
        out_specs=pl.BlockSpec((ro, 128), lambda i: (i, 0)),
        out_shape=jax.ShapeDtypeStruct((n * hh // 128, 128), jnp.float32),
    )(h, a0, a1, w1f, b1f.reshape(1, -1), w2, b2.reshape(1, -1))



def _pool_mlp_body(h_ref, b_ref, w1_ref, b1_ref, w2_ref, b2_ref,
                   pooled_ref, out_ref, *, d):
    i = pl.program_id(0)
    nblk = pl.num_programs(0)
    g = pooled_ref.shape[0]
    seg = b_ref[0, 0, :]
    h = h_ref[...].reshape(seg.shape[0], d)
    iota = lax.broadcasted_iota(jnp.int32, (g, seg.shape[0]), 0)
    onehot = (iota == seg[None, :]).astype(jnp.float32)
    part = jnp.dot(onehot, h, preferred_element_type=jnp.float32)

    @pl.when(i == 0)
    def _():
        pooled_ref[...] = jnp.zeros_like(pooled_ref)

    pooled_ref[...] += part

    @pl.when(i == nblk - 1)
    def _():
        p = pooled_ref[...]
        z = jnp.dot(p, w1_ref[...], preferred_element_type=jnp.float32)
        z = jnp.maximum(z + b1_ref[...], 0.0)
        o = jnp.dot(z, w2_ref[...], preferred_element_type=jnp.float32)
        out_ref[...] = o + b2_ref[...]


def _pool_mlp(h, batch, n_graphs, w1, b1, w2, b2):
    d = w1.shape[0]
    n = h.shape[0] * h.shape[1] // d
    out_d = w2.shape[1]
    rh = _ROWS * d // 128
    grid = (n // _ROWS,)
    batch3 = batch.reshape(n // _ROWS, 1, _ROWS)
    pooled, out = pl.pallas_call(
        functools.partial(_pool_mlp_body, d=d),
        grid=grid,
        in_specs=[
            pl.BlockSpec((rh, 128), lambda i: (i, 0)),
            pl.BlockSpec((1, 1, _ROWS), lambda i: (i, 0, 0)),
            pl.BlockSpec((d, d), lambda i: (0, 0)),
            pl.BlockSpec((1, d), lambda i: (0, 0)),
            pl.BlockSpec((d, out_d), lambda i: (0, 0)),
            pl.BlockSpec((1, out_d), lambda i: (0, 0)),
        ],
        out_specs=[
            pl.BlockSpec((n_graphs, d), lambda i: (0, 0)),
            pl.BlockSpec((n_graphs, out_d), lambda i: (0, 0)),
        ],
        out_shape=[
            jax.ShapeDtypeStruct((n_graphs, d), jnp.float32),
            jax.ShapeDtypeStruct((n_graphs, out_d), jnp.float32),
        ],
    )(h, batch3, w1, b1.reshape(1, -1), w2, b2.reshape(1, -1))
    return out, pooled



def kernel(x, edge_index, batch,
           l0_W1, l0_b1, l0_g, l0_bb, l0_m, l0_v, l0_W2, l0_b2,
           l1_W1, l1_b1, l1_g, l1_bb, l1_m, l1_v, l1_W2, l1_b2,
           l2_W1, l2_b1, l2_g, l2_bb, l2_m, l2_v, l2_W2, l2_b2,
           mlp_W1, mlp_b1, mlp_W2, mlp_b2):
    n, _ = x.shape
    e = edge_index.shape[1]
    n_graphs = 64

    src, dst = edge_index[0], edge_index[1]

    layers = [
        (l0_W1, l0_b1, l0_g, l0_bb, l0_m, l0_v, l0_W2, l0_b2),
        (l1_W1, l1_b1, l1_g, l1_bb, l1_m, l1_v, l1_W2, l1_b2),
        (l2_W1, l2_b1, l2_g, l2_bb, l2_m, l2_v, l2_W2, l2_b2),
    ]

    h = x
    for (W1, b1, g, bb, m, v, W2, b2) in layers:
        d = W1.shape[0]
        half = d // 2
        s = g / jnp.sqrt(v + 1e-5)
        W1f = W1 * s[None, :]
        b1f = (b1 - m) * s + bb
        edge_split = (half % 128 != 0)
        width = d if edge_split else half
        n_workers, chunk, ep_pad, phases, pnch = _seg_geometry(e, edge_split)
        srcp = _pad_idx(src, n_workers, ep_pad, n, None)
        if edge_split:
            src3d = srcp.reshape(n_workers, phases, pnch, chunk)
        else:
            src3d = jnp.stack([srcp * 2, srcp * 2 + 1]).reshape(
                2, n_workers, phases, pnch, chunk)
        dst3d = _pad_idx(dst, n_workers, ep_pad, n, n).reshape(
            n_workers, phases, pnch, chunk)
        n_acc = -(-n // 128) * 128
        zero = jnp.zeros((n_acc // _TILES, width), jnp.float32)
        seg = _make_seg_sum(n, e, width, edge_split)
        a0, a1 = seg(h, src3d, dst3d, zero)
        h = _gin_mlp(h, a0, a1, W1f, b1f, W2, b2, concat=not edge_split)

    out2, pooled = _pool_mlp(h, batch, n_graphs, mlp_W1, mlp_b1,
                             mlp_W2, mlp_b2)
    return out2.reshape(-1), pooled

# --- scband reference (transcript-rebuilt; emitter-appended) ---
"""Pipeline reference for scband-net-65987877535778 (READ-ONLY COPY).

The authoritative reference and input builder live on the scoring server;
editing this copy changes nothing except your own understanding.
"""

import jax, jax.numpy as jnp
import numpy as np

N = 10000
E = 320000
IN = 128
H = 256
OUT = 128
G = 64


def _init_linear(key, din, dout):
    k1, k2 = jax.random.split(key)
    lim = 1.0 / np.sqrt(din)
    W = jax.random.uniform(k1, (din, dout), minval=-lim, maxval=lim, dtype=jnp.float32)
    b = jax.random.uniform(k2, (dout,), minval=-lim, maxval=lim, dtype=jnp.float32)
    return W, b


def setup_inputs(seed: int = 0):
    key = jax.random.key(seed)
    ks = jax.random.split(key, 16)
    inp = {}
    inp["x"] = jax.random.normal(ks[0], (N, IN), dtype=jnp.float32)
    inp["edge_index"] = jax.random.randint(ks[1], (2, E), 0, N, dtype=jnp.int32)
    inp["batch"] = jnp.sort(jax.random.randint(ks[2], (N,), 0, G, dtype=jnp.int32))
    dins = [IN, H, H]
    for i in range(3):
        W1, b1 = _init_linear(ks[3 + 2 * i], dins[i], H)
        W2, b2 = _init_linear(ks[4 + 2 * i], H, H)
        inp["l%d_W1" % i] = W1
        inp["l%d_b1" % i] = b1
        inp["l%d_g" % i] = jnp.ones((H,), jnp.float32)
        inp["l%d_bb" % i] = jnp.zeros((H,), jnp.float32)
        inp["l%d_m" % i] = jnp.zeros((H,), jnp.float32)
        inp["l%d_v" % i] = jnp.ones((H,), jnp.float32)
        inp["l%d_W2" % i] = W2
        inp["l%d_b2" % i] = b2
    mW1, mb1 = _init_linear(ks[10], H, H)
    mW2, mb2 = _init_linear(ks[11], H, OUT)
    inp["mlp_W1"] = mW1
    inp["mlp_b1"] = mb1
    inp["mlp_W2"] = mW2
    inp["mlp_b2"] = mb2
    return inp


def _gin(x, src, dst, W1, b1, g, bb, m, v, W2, b2):
    # GINConv with train_eps=False, eps=0: nn(x_i + sum_{j->i} x_j)
    agg = jax.ops.segment_sum(x[src], dst, num_segments=x.shape[0])
    h = x + agg
    # MLP([din, H, H]): Linear -> BatchNorm(eval) -> ReLU -> Linear
    h = h @ W1 + b1
    h = (h - m) / jnp.sqrt(v + 1e-5) * g + bb
    h = jax.nn.relu(h)
    return h @ W2 + b2


def reference(x, edge_index, batch,
              l0_W1, l0_b1, l0_g, l0_bb, l0_m, l0_v, l0_W2, l0_b2,
              l1_W1, l1_b1, l1_g, l1_bb, l1_m, l1_v, l1_W2, l1_b2,
              l2_W1, l2_b1, l2_g, l2_bb, l2_m, l2_v, l2_W2, l2_b2,
              mlp_W1, mlp_b1, mlp_W2, mlp_b2):
    src, dst = edge_index[0], edge_index[1]
    layers = [
        (l0_W1, l0_b1, l0_g, l0_bb, l0_m, l0_v, l0_W2, l0_b2),
        (l1_W1, l1_b1, l1_g, l1_bb, l1_m, l1_v, l1_W2, l1_b2),
        (l2_W1, l2_b1, l2_g, l2_bb, l2_m, l2_v, l2_W2, l2_b2),
    ]
    h = x
    for p in layers:
        h = jax.nn.relu(_gin(h, src, dst, *p))
    # global_add_pool over per-graph segments
    pooled = jax.ops.segment_sum(h, batch, num_segments=G)
    # final MLP([H, H, OUT], norm=None, dropout inactive at inference)
    z = jax.nn.relu(pooled @ mlp_W1 + mlp_b1)
    out = z @ mlp_W2 + mlp_b2
    return (out.reshape(-1), pooled)

if __name__ == "__main__":
    import jax
    _d = setup_inputs()
    print(jax.jit(kernel)(*tuple(_d.values())))

</pallas_src>

<mosaic_0001>
#map = affine_map<(d0, d1) -> (0, 0)>
#map1 = affine_map<(d0, d1) -> (0, 0, 0, 0)>
module attributes {stable_mosaic.version = 14 : i64} {
  func.func @seg_kernel(%arg0: i32, %arg1: i32, %arg2: memref<10000x128xf32, #tpu.memory_space<hbm>>, %arg3: memref<32x3x28x120xi32, #tpu.memory_space<hbm>>, %arg4: memref<32x3x28x120xi32, #tpu.memory_space<hbm>>, %arg5: memref<632x128xf32, #tpu.memory_space<hbm>>, %arg6: memref<10112x128xf32, #tpu.memory_space<hbm>>, %arg7: memref<10112x128xf32, #tpu.memory_space<hbm>>, %arg8: memref<28x120xi32, #tpu.memory_space<vmem>>, %arg9: memref<28x120xi32, #tpu.memory_space<vmem>>, %arg10: memref<120x128xf32, #tpu.memory_space<vmem>>, %arg11: memref<120x128xf32, #tpu.memory_space<vmem>>, %arg12: memref<10112x128xf32, #tpu.memory_space<vmem_shared>>, %arg13: memref<!tpu.dma_semaphore, #tpu.memory_space<semaphore_mem>>, %arg14: memref<!tpu.dma_semaphore, #tpu.memory_space<semaphore_mem>>) attributes {dimension_semantics = [#tpu.dimension_semantics<core_parallel>, #tpu.dimension_semantics<subcore_parallel>], iteration_bounds = array<i64: 2, 16>, scalar_prefetch = 0 : i64, scratch_operands = 7 : i64, tpu.core_type = #tpu.core_type<sc_vector_subcore>, window_params = [{transform_indices = #map}, {transform_indices = #map1}, {transform_indices = #map1}, {transform_indices = #map}, {transform_indices = #map}, {transform_indices = #map}]} {
    %mul3A = arith.constant 16 : i32
    %mul3A_0 = arith.muli %arg0, %mul3A : i32
    %add3A = arith.addi %mul3A_0, %arg1 : i32
    %mul3A_1 = arith.constant 632 : i32
    %mul3A_2 = arith.muli %arg1, %mul3A_1 : i32
    "tpu.region"() ({
      %run_scoped3A = tpu.sem_alloc : memref<!tpu.dma_semaphore, #tpu.memory_space<semaphore_mem>>
      %dma_start3A = arith.constant 0 : i32
      %dma_start3A_17 = tpu.memref_slice %arg12[%mul3A_2, %dma_start3A] : memref<10112x128xf32, #tpu.memory_space<vmem_shared>> -> memref<632x128xf32, #tpu.memory_space<vmem_shared>>
      tpu.enqueue_dma source(%arg5 : memref<632x128xf32, #tpu.memory_space<hbm>>) target(%dma_start3A_17 : memref<632x128xf32, #tpu.memory_space<vmem_shared>>) target_semaphore(%run_scoped3A : memref<!tpu.dma_semaphore, #tpu.memory_space<semaphore_mem>>)
      %dma_wait3A = arith.constant 0 : i32
      %dma_wait3A_18 = tpu.memref_slice %arg12[%mul3A_2, %dma_wait3A] : memref<10112x128xf32, #tpu.memory_space<vmem_shared>> -> memref<632x128xf32, #tpu.memory_space<vmem_shared>>
      tpu.wait_dma2 semaphore(%run_scoped3A : memref<!tpu.dma_semaphore, #tpu.memory_space<semaphore_mem>>) src(%arg5 : memref<632x128xf32, #tpu.memory_space<hbm>>) dst(%dma_wait3A_18 : memref<632x128xf32, #tpu.memory_space<vmem_shared>>)
      tpu.yield
    }) : () -> ()
    %barrier3A = arith.constant 0 : index
    tpu.barrier barrier_id(%barrier3A)
    %scan3A = arith.constant 0 : i32
    %scan3A_3 = arith.constant 0 : i32
    %scan3A_4 = arith.constant 3 : i32
    %scan3A_5 = arith.addi %scan3A_3, %scan3A_4 : i32
    %scan3A_6 = arith.constant 1 : i32
    %scan3A_7 = scf.for %scan3A_17 = %scan3A_3 to %scan3A_5 step %scan3A_6 iter_args(%scan3A_18 = %scan3A) -> (i32)  : i32 {
      "tpu.region"() ({
        %run_scoped3A = tpu.sem_alloc : memref<!tpu.dma_semaphore, #tpu.memory_space<semaphore_mem>>
        %dma_start3A_53 = arith.constant 0 : i32
        %dma_start3A_54 = arith.constant 0 : i32
        %dma_start3A_55 = tpu.memref_slice %arg3[%add3A, %scan3A_17, %dma_start3A_53, %dma_start3A_54] : memref<32x3x28x120xi32, #tpu.memory_space<hbm>> -> memref<1x1x28x120xi32, #tpu.memory_space<hbm>>
        %dma_start3A_56 = tpu.memref_squeeze %dma_start3A_55 : memref<1x1x28x120xi32, #tpu.memory_space<hbm>> -> memref<28x120xi32, #tpu.memory_space<hbm>>
        %dma_start3A_57 = arith.constant 0 : i32
        %dma_start3A_58 = arith.constant 0 : i32
        %dma_start3A_59 = tpu.memref_slice %arg3[%add3A, %scan3A_17, %dma_start3A_57, %dma_start3A_58] : memref<32x3x28x120xi32, #tpu.memory_space<hbm>> -> memref<1x1x28x120xi32, #tpu.memory_space<hbm>>
        %dma_start3A_60 = tpu.memref_squeeze %dma_start3A_59 : memref<1x1x28x120xi32, #tpu.memory_space<hbm>> -> memref<28x120xi32, #tpu.memory_space<hbm>>
        tpu.enqueue_dma source(%dma_start3A_60 : memref<28x120xi32, #tpu.memory_space<hbm>>) target(%arg8 : memref<28x120xi32, #tpu.memory_space<vmem>>) target_semaphore(%run_scoped3A : memref<!tpu.dma_semaphore, #tpu.memory_space<semaphore_mem>>)
        %dma_wait3A_61 = arith.constant 0 : i32
        %dma_wait3A_62 = arith.constant 0 : i32
        %dma_wait3A_63 = tpu.memref_slice %arg3[%add3A, %scan3A_17, %dma_wait3A_61, %dma_wait3A_62] : memref<32x3x28x120xi32, #tpu.memory_space<hbm>> -> memref<1x1x28x120xi32, #tpu.memory_space<hbm>>
        %dma_wait3A_64 = tpu.memref_squeeze %dma_wait3A_63 : memref<1x1x28x120xi32, #tpu.memory_space<hbm>> -> memref<28x120xi32, #tpu.memory_space<hbm>>
        %dma_wait3A_65 = arith.constant 0 : i32
        %dma_wait3A_66 = arith.constant 0 : i32
        %dma_wait3A_67 = tpu.memref_slice %arg3[%add3A, %scan3A_17, %dma_wait3A_65, %dma_wait3A_66] : memref<32x3x28x120xi32, #tpu.memory_space<hbm>> -> memref<1x1x28x120xi32, #tpu.memory_space<hbm>>
        %dma_wait3A_68 = tpu.memref_squeeze %dma_wait3A_67 : memref<1x1x28x120xi32, #tpu.memory_space<hbm>> -> memref<28x120xi32, #tpu.memory_space<hbm>>
        tpu.wait_dma2 semaphore(%run_scoped3A : memref<!tpu.dma_semaphore, #tpu.memory_space<semaphore_mem>>) src(%dma_wait3A_68 : memref<28x120xi32, #tpu.memory_space<hbm>>) dst(%arg8 : memref<28x120xi32, #tpu.memory_space<vmem>>)
        tpu.yield
      }) : () -> ()
      "tpu.region"() ({
        %run_scoped3A = tpu.sem_alloc : memref<!tpu.dma_semaphore, #tpu.memory_space<semaphore_mem>>
        %dma_start3A_53 = arith.constant 0 : i32
        %dma_start3A_54 = arith.constant 0 : i32
        %dma_start3A_55 = tpu.memref_slice %arg4[%add3A, %scan3A_17, %dma_start3A_53, %dma_start3A_54] : memref<32x3x28x120xi32, #tpu.memory_space<hbm>> -> memref<1x1x28x120xi32, #tpu.memory_space<hbm>>
        %dma_start3A_56 = tpu.memref_squeeze %dma_start3A_55 : memref<1x1x28x120xi32, #tpu.memory_space<hbm>> -> memref<28x120xi32, #tpu.memory_space<hbm>>
        %dma_start3A_57 = arith.constant 0 : i32
        %dma_start3A_58 = arith.constant 0 : i32
        %dma_start3A_59 = tpu.memref_slice %arg4[%add3A, %scan3A_17, %dma_start3A_57, %dma_start3A_58] : memref<32x3x28x120xi32, #tpu.memory_space<hbm>> -> memref<1x1x28x120xi32, #tpu.memory_space<hbm>>
        %dma_start3A_60 = tpu.memref_squeeze %dma_start3A_59 : memref<1x1x28x120xi32, #tpu.memory_space<hbm>> -> memref<28x120xi32, #tpu.memory_space<hbm>>
        tpu.enqueue_dma source(%dma_start3A_60 : memref<28x120xi32, #tpu.memory_space<hbm>>) target(%arg9 : memref<28x120xi32, #tpu.memory_space<vmem>>) target_semaphore(%run_scoped3A : memref<!tpu.dma_semaphore, #tpu.memory_space<semaphore_mem>>)
        %dma_wait3A_61 = arith.constant 0 : i32
        %dma_wait3A_62 = arith.constant 0 : i32
        %dma_wait3A_63 = tpu.memref_slice %arg4[%add3A, %scan3A_17, %dma_wait3A_61, %dma_wait3A_62] : memref<32x3x28x120xi32, #tpu.memory_space<hbm>> -> memref<1x1x28x120xi32, #tpu.memory_space<hbm>>
        %dma_wait3A_64 = tpu.memref_squeeze %dma_wait3A_63 : memref<1x1x28x120xi32, #tpu.memory_space<hbm>> -> memref<28x120xi32, #tpu.memory_space<hbm>>
        %dma_wait3A_65 = arith.constant 0 : i32
        %dma_wait3A_66 = arith.constant 0 : i32
        %dma_wait3A_67 = tpu.memref_slice %arg4[%add3A, %scan3A_17, %dma_wait3A_65, %dma_wait3A_66] : memref<32x3x28x120xi32, #tpu.memory_space<hbm>> -> memref<1x1x28x120xi32, #tpu.memory_space<hbm>>
        %dma_wait3A_68 = tpu.memref_squeeze %dma_wait3A_67 : memref<1x1x28x120xi32, #tpu.memory_space<hbm>> -> memref<28x120xi32, #tpu.memory_space<hbm>>
        tpu.wait_dma2 semaphore(%run_scoped3A : memref<!tpu.dma_semaphore, #tpu.memory_space<semaphore_mem>>) src(%dma_wait3A_68 : memref<28x120xi32, #tpu.memory_space<hbm>>) dst(%arg9 : memref<28x120xi32, #tpu.memory_space<vmem>>)
        tpu.yield
      }) : () -> ()
      %dma_start3A = arith.constant 0 : i32
      %dma_start3A_19 = arith.constant 0 : i32
      %dma_start3A_20 = tpu.memref_slice %arg8[%dma_start3A, %dma_start3A_19] : memref<28x120xi32, #tpu.memory_space<vmem>> -> memref<1x120xi32, #tpu.memory_space<vmem>>
      %dma_start3A_21 = tpu.memref_squeeze %dma_start3A_20 : memref<1x120xi32, #tpu.memory_space<vmem>> -> memref<120xi32, #tpu.memory_space<vmem>>
      %dma_start3A_22 = arith.constant 0 : i32
      %dma_start3A_23 = arith.constant 0 : i32
      %dma_start3A_24 = tpu.memref_slice %arg2[%dma_start3A_22, %dma_start3A_23] : memref<10000x128xf32, #tpu.memory_space<hbm>> -> memref<10000x128xf32, #tpu.memory_space<hbm>>
      tpu.enqueue_indirect_dma source(%dma_start3A_24 : memref<10000x128xf32, #tpu.memory_space<hbm>>) target(%arg10 : memref<120x128xf32, #tpu.memory_space<vmem>>) offsets(%dma_start3A_21 : memref<120xi32, #tpu.memory_space<vmem>>) semaphore(%arg13 : memref<!tpu.dma_semaphore, #tpu.memory_space<semaphore_mem>>)
      %dma_start3A_25 = arith.constant 1 : i32
      %dma_start3A_26 = arith.constant 0 : i32
      %dma_start3A_27 = tpu.memref_slice %arg8[%dma_start3A_25, %dma_start3A_26] : memref<28x120xi32, #tpu.memory_space<vmem>> -> memref<1x120xi32, #tpu.memory_space<vmem>>
      %dma_start3A_28 = tpu.memref_squeeze %dma_start3A_27 : memref<1x120xi32, #tpu.memory_space<vmem>> -> memref<120xi32, #tpu.memory_space<vmem>>
      %dma_start3A_29 = arith.constant 0 : i32
      %dma_start3A_30 = arith.constant 0 : i32
      %dma_start3A_31 = tpu.memref_slice %arg2[%dma_start3A_29, %dma_start3A_30] : memref<10000x128xf32, #tpu.memory_space<hbm>> -> memref<10000x128xf32, #tpu.memory_space<hbm>>
      tpu.enqueue_indirect_dma source(%dma_start3A_31 : memref<10000x128xf32, #tpu.memory_space<hbm>>) target(%arg11 : memref<120x128xf32, #tpu.memory_space<vmem>>) offsets(%dma_start3A_28 : memref<120xi32, #tpu.memory_space<vmem>>) semaphore(%arg14 : memref<!tpu.dma_semaphore, #tpu.memory_space<semaphore_mem>>)
      %scan3A_32 = arith.constant 0 : i32
      %scan3A_33 = arith.constant 0 : i32
      %scan3A_34 = arith.constant 14 : i32
      %scan3A_35 = arith.addi %scan3A_33, %scan3A_34 : i32
      %scan3A_36 = arith.constant 1 : i32
      %scan3A_37 = scf.for %scan3A_53 = %scan3A_33 to %scan3A_35 step %scan3A_36 iter_args(%scan3A_54 = %scan3A_32) -> (i32)  : i32 {
        %mul3A_55 = arith.constant 2 : i32
        %mul3A_56 = arith.muli %mul3A_55, %scan3A_53 : i32
        %add3A_57 = arith.constant 1 : i32
        %add3A_58 = arith.addi %mul3A_56, %add3A_57 : i32
        %dma_wait3A_59 = arith.constant 0 : i32
        %dma_wait3A_60 = tpu.memref_slice %arg8[%mul3A_56, %dma_wait3A_59] : memref<28x120xi32, #tpu.memory_space<vmem>> -> memref<1x120xi32, #tpu.memory_space<vmem>>
        %dma_wait3A_61 = tpu.memref_squeeze %dma_wait3A_60 : memref<1x120xi32, #tpu.memory_space<vmem>> -> memref<120xi32, #tpu.memory_space<vmem>>
        %dma_wait3A_62 = arith.constant 0 : i32
        %dma_wait3A_63 = arith.constant 0 : i32
        %dma_wait3A_64 = tpu.memref_slice %arg2[%dma_wait3A_62, %dma_wait3A_63] : memref<10000x128xf32, #tpu.memory_space<hbm>> -> memref<10000x128xf32, #tpu.memory_space<hbm>>
        tpu.wait_indirect_dma semaphore(%arg13 : memref<!tpu.dma_semaphore, #tpu.memory_space<semaphore_mem>>) src(%dma_wait3A_64 : memref<10000x128xf32, #tpu.memory_space<hbm>>) dst(%arg10 : memref<120x128xf32, #tpu.memory_space<vmem>>)
        "tpu.region"() ({
          %run_scoped3A = tpu.sem_alloc : memref<!tpu.dma_semaphore, #tpu.memory_space<semaphore_mem>>
          %dma_start3A_91 = arith.constant 0 : i32
          %dma_start3A_92 = tpu.memref_slice %arg9[%mul3A_56, %dma_start3A_91] : memref<28x120xi32, #tpu.memory_space<vmem>> -> memref<1x120xi32, #tpu.memory_space<vmem>>
          %dma_start3A_93 = tpu.memref_squeeze %dma_start3A_92 : memref<1x120xi32, #tpu.memory_space<vmem>> -> memref<120xi32, #tpu.memory_space<vmem>>
          %dma_start3A_94 = arith.constant 0 : i32
          %dma_start3A_95 = arith.constant 0 : i32
          %dma_start3A_96 = tpu.memref_slice %arg12[%dma_start3A_94, %dma_start3A_95] : memref<10112x128xf32, #tpu.memory_space<vmem_shared>> -> memref<10112x128xf32, #tpu.memory_space<vmem_shared>>
          tpu.enqueue_indirect_dma source(%arg10 : memref<120x128xf32, #tpu.memory_space<vmem>>) target(%dma_start3A_96 : memref<10112x128xf32, #tpu.memory_space<vmem_shared>>) offsets(%dma_start3A_93 : memref<120xi32, #tpu.memory_space<vmem>>) semaphore(%run_scoped3A : memref<!tpu.dma_semaphore, #tpu.memory_space<semaphore_mem>>) {add = true}
          %dma_wait3A_97 = arith.constant 0 : i32
          %dma_wait3A_98 = tpu.memref_slice %arg9[%mul3A_56, %dma_wait3A_97] : memref<28x120xi32, #tpu.memory_space<vmem>> -> memref<1x120xi32, #tpu.memory_space<vmem>>
          %dma_wait3A_99 = tpu.memref_squeeze %dma_wait3A_98 : memref<1x120xi32, #tpu.memory_space<vmem>> -> memref<120xi32, #tpu.memory_space<vmem>>
          %dma_wait3A_100 = arith.constant 0 : i32
          %dma_wait3A_101 = arith.constant 0 : i32
          %dma_wait3A_102 = tpu.memref_slice %arg12[%dma_wait3A_100, %dma_wait3A_101] : memref<10112x128xf32, #tpu.memory_space<vmem_shared>> -> memref<10112x128xf32, #tpu.memory_space<vmem_shared>>
          tpu.wait_indirect_dma semaphore(%run_scoped3A : memref<!tpu.dma_semaphore, #tpu.memory_space<semaphore_mem>>) src(%arg10 : memref<120x128xf32, #tpu.memory_space<vmem>>) dst(%dma_wait3A_102 : memref<10112x128xf32, #tpu.memory_space<vmem_shared>>)
          tpu.yield
        }) : () -> ()
        %add3A_65 = arith.constant 2 : i32
        %add3A_66 = arith.addi %mul3A_56, %add3A_65 : i32
        %min3A = arith.constant 27 : i32
        %min3A_67 = arith.minsi %add3A_66, %min3A : i32
        %dma_start3A_68 = arith.constant 0 : i32
        %dma_start3A_69 = tpu.memref_slice %arg8[%min3A_67, %dma_start3A_68] : memref<28x120xi32, #tpu.memory_space<vmem>> -> memref<1x120xi32, #tpu.memory_space<vmem>>
        %dma_start3A_70 = tpu.memref_squeeze %dma_start3A_69 : memref<1x120xi32, #tpu.memory_space<vmem>> -> memref<120xi32, #tpu.memory_space<vmem>>
        %dma_start3A_71 = arith.constant 0 : i32
        %dma_start3A_72 = arith.constant 0 : i32
        %dma_start3A_73 = tpu.memref_slice %arg2[%dma_start3A_71, %dma_start3A_72] : memref<10000x128xf32, #tpu.memory_space<hbm>> -> memref<10000x128xf32, #tpu.memory_space<hbm>>
        tpu.enqueue_indirect_dma source(%dma_start3A_73 : memref<10000x128xf32, #tpu.memory_space<hbm>>) target(%arg10 : memref<120x128xf32, #tpu.memory_space<vmem>>) offsets(%dma_start3A_70 : memref<120xi32, #tpu.memory_space<vmem>>) semaphore(%arg13 : memref<!tpu.dma_semaphore, #tpu.memory_space<semaphore_mem>>)
        %dma_wait3A_74 = arith.constant 0 : i32
        %dma_wait3A_75 = tpu.memref_slice %arg8[%add3A_58, %dma_wait3A_74] : memref<28x120xi32, #tpu.memory_space<vmem>> -> memref<1x120xi32, #tpu.memory_space<vmem>>
        %dma_wait3A_76 = tpu.memref_squeeze %dma_wait3A_75 : memref<1x120xi32, #tpu.memory_space<vmem>> -> memref<120xi32, #tpu.memory_space<vmem>>
        %dma_wait3A_77 = arith.constant 0 : i32
        %dma_wait3A_78 = arith.constant 0 : i32
        %dma_wait3A_79 = tpu.memref_slice %arg2[%dma_wait3A_77, %dma_wait3A_78] : memref<10000x128xf32, #tpu.memory_space<hbm>> -> memref<10000x128xf32, #tpu.memory_space<hbm>>
        tpu.wait_indirect_dma semaphore(%arg14 : memref<!tpu.dma_semaphore, #tpu.memory_space<semaphore_mem>>) src(%dma_wait3A_79 : memref<10000x128xf32, #tpu.memory_space<hbm>>) dst(%arg11 : memref<120x128xf32, #tpu.memory_space<vmem>>)
        "tpu.region"() ({
          %run_scoped3A = tpu.sem_alloc : memref<!tpu.dma_semaphore, #tpu.memory_space<semaphore_mem>>
          %dma_start3A_91 = arith.constant 0 : i32
          %dma_start3A_92 = tpu.memref_slice %arg9[%add3A_58, %dma_start3A_91] : memref<28x120xi32, #tpu.memory_space<vmem>> -> memref<1x120xi32, #tpu.memory_space<vmem>>
          %dma_start3A_93 = tpu.memref_squeeze %dma_start3A_92 : memref<1x120xi32, #tpu.memory_space<vmem>> -> memref<120xi32, #tpu.memory_space<vmem>>
          %dma_start3A_94 = arith.constant 0 : i32
          %dma_start3A_95 = arith.constant 0 : i32
          %dma_start3A_96 = tpu.memref_slice %arg12[%dma_start3A_94, %dma_start3A_95] : memref<10112x128xf32, #tpu.memory_space<vmem_shared>> -> memref<10112x128xf32, #tpu.memory_space<vmem_shared>>
          tpu.enqueue_indirect_dma source(%arg11 : memref<120x128xf32, #tpu.memory_space<vmem>>) target(%dma_start3A_96 : memref<10112x128xf32, #tpu.memory_space<vmem_shared>>) offsets(%dma_start3A_93 : memref<120xi32, #tpu.memory_space<vmem>>) semaphore(%run_scoped3A : memref<!tpu.dma_semaphore, #tpu.memory_space<semaphore_mem>>) {add = true}
          %dma_wait3A_97 = arith.constant 0 : i32
          %dma_wait3A_98 = tpu.memref_slice %arg9[%add3A_58, %dma_wait3A_97] : memref<28x120xi32, #tpu.memory_space<vmem>> -> memref<1x120xi32, #tpu.memory_space<vmem>>
          %dma_wait3A_99 = tpu.memref_squeeze %dma_wait3A_98 : memref<1x120xi32, #tpu.memory_space<vmem>> -> memref<120xi32, #tpu.memory_space<vmem>>
          %dma_wait3A_100 = arith.constant 0 : i32
          %dma_wait3A_101 = arith.constant 0 : i32
          %dma_wait3A_102 = tpu.memref_slice %arg12[%dma_wait3A_100, %dma_wait3A_101] : memref<10112x128xf32, #tpu.memory_space<vmem_shared>> -> memref<10112x128xf32, #tpu.memory_space<vmem_shared>>
          tpu.wait_indirect_dma semaphore(%run_scoped3A : memref<!tpu.dma_semaphore, #tpu.memory_space<semaphore_mem>>) src(%arg11 : memref<120x128xf32, #tpu.memory_space<vmem>>) dst(%dma_wait3A_102 : memref<10112x128xf32, #tpu.memory_space<vmem_shared>>)
          tpu.yield
        }) : () -> ()
        %add3A_80 = arith.constant 2 : i32
        %add3A_81 = arith.addi %add3A_58, %add3A_80 : i32
        %min3A_82 = arith.constant 27 : i32
        %min3A_83 = arith.minsi %add3A_81, %min3A_82 : i32
        %dma_start3A_84 = arith.constant 0 : i32
        %dma_start3A_85 = tpu.memref_slice %arg8[%min3A_83, %dma_start3A_84] : memref<28x120xi32, #tpu.memory_space<vmem>> -> memref<1x120xi32, #tpu.memory_space<vmem>>
        %dma_start3A_86 = tpu.memref_squeeze %dma_start3A_85 : memref<1x120xi32, #tpu.memory_space<vmem>> -> memref<120xi32, #tpu.memory_space<vmem>>
        %dma_start3A_87 = arith.constant 0 : i32
        %dma_start3A_88 = arith.constant 0 : i32
        %dma_start3A_89 = tpu.memref_slice %arg2[%dma_start3A_87, %dma_start3A_88] : memref<10000x128xf32, #tpu.memory_space<hbm>> -> memref<10000x128xf32, #tpu.memory_space<hbm>>
        tpu.enqueue_indirect_dma source(%dma_start3A_89 : memref<10000x128xf32, #tpu.memory_space<hbm>>) target(%arg11 : memref<120x128xf32, #tpu.memory_space<vmem>>) offsets(%dma_start3A_86 : memref<120xi32, #tpu.memory_space<vmem>>) semaphore(%arg14 : memref<!tpu.dma_semaphore, #tpu.memory_space<semaphore_mem>>)
        %scan3A_90 = arith.constant 0 : i32
        scf.yield %scan3A_90 : i32
      }
      %scan3A_38 = arith.constant 14 : i32
      %dma_wait3A = arith.constant 0 : i32
      %dma_wait3A_39 = arith.constant 0 : i32
      %dma_wait3A_40 = tpu.memref_slice %arg8[%dma_wait3A, %dma_wait3A_39] : memref<28x120xi32, #tpu.memory_space<vmem>> -> memref<1x120xi32, #tpu.memory_space<vmem>>
      %dma_wait3A_41 = tpu.memref_squeeze %dma_wait3A_40 : memref<1x120xi32, #tpu.memory_space<vmem>> -> memref<120xi32, #tpu.memory_space<vmem>>
      %dma_wait3A_42 = arith.constant 0 : i32
      %dma_wait3A_43 = arith.constant 0 : i32
      %dma_wait3A_44 = tpu.memref_slice %arg2[%dma_wait3A_42, %dma_wait3A_43] : memref<10000x128xf32, #tpu.memory_space<hbm>> -> memref<10000x128xf32, #tpu.memory_space<hbm>>
      tpu.wait_indirect_dma semaphore(%arg13 : memref<!tpu.dma_semaphore, #tpu.memory_space<semaphore_mem>>) src(%dma_wait3A_44 : memref<10000x128xf32, #tpu.memory_space<hbm>>) dst(%arg10 : memref<120x128xf32, #tpu.memory_space<vmem>>)
      %dma_wait3A_45 = arith.constant 0 : i32
      %dma_wait3A_46 = arith.constant 0 : i32
      %dma_wait3A_47 = tpu.memref_slice %arg8[%dma_wait3A_45, %dma_wait3A_46] : memref<28x120xi32, #tpu.memory_space<vmem>> -> memref<1x120xi32, #tpu.memory_space<vmem>>
      %dma_wait3A_48 = tpu.memref_squeeze %dma_wait3A_47 : memref<1x120xi32, #tpu.memory_space<vmem>> -> memref<120xi32, #tpu.memory_space<vmem>>
      %dma_wait3A_49 = arith.constant 0 : i32
      %dma_wait3A_50 = arith.constant 0 : i32
      %dma_wait3A_51 = tpu.memref_slice %arg2[%dma_wait3A_49, %dma_wait3A_50] : memref<10000x128xf32, #tpu.memory_space<hbm>> -> memref<10000x128xf32, #tpu.memory_space<hbm>>
      tpu.wait_indirect_dma semaphore(%arg14 : memref<!tpu.dma_semaphore, #tpu.memory_space<semaphore_mem>>) src(%dma_wait3A_51 : memref<10000x128xf32, #tpu.memory_space<hbm>>) dst(%arg11 : memref<120x128xf32, #tpu.memory_space<vmem>>)
      %scan3A_52 = arith.constant 0 : i32
      scf.yield %scan3A_52 : i32
    }
    %scan3A_8 = arith.constant 3 : i32
    %barrier3A_9 = arith.constant 0 : index
    tpu.barrier barrier_id(%barrier3A_9)
    %eq3A = arith.constant 0 : i32
    %eq3A_10 = arith.cmpi eq, %arg0, %eq3A : i32
    %convert_element_type3A = arith.extui %eq3A_10 : i1 to i32
    %cond3A = arith.constant 0 : i32
    %cond3A_11 = arith.cmpi ne, %convert_element_type3A, %cond3A : i32
    scf.if %cond3A_11 {
      %mul3A_17 = arith.constant 632 : i32
      %mul3A_18 = arith.muli %arg1, %mul3A_17 : i32
      %mul3A_19 = arith.constant 632 : i32
      %mul3A_20 = arith.muli %arg1, %mul3A_19 : i32
      "tpu.region"() ({
        %run_scoped3A = tpu.sem_alloc : memref<!tpu.dma_semaphore, #tpu.memory_space<semaphore_mem>>
        %dma_start3A = arith.constant 0 : i32
        %dma_start3A_21 = tpu.memref_slice %arg6[%mul3A_20, %dma_start3A] : memref<10112x128xf32, #tpu.memory_space<hbm>> -> memref<632x128xf32, #tpu.memory_space<hbm>>
        %dma_start3A_22 = arith.constant 0 : i32
        %dma_start3A_23 = tpu.memref_slice %arg12[%mul3A_18, %dma_start3A_22] : memref<10112x128xf32, #tpu.memory_space<vmem_shared>> -> memref<632x128xf32, #tpu.memory_space<vmem_shared>>
        tpu.enqueue_dma source(%dma_start3A_23 : memref<632x128xf32, #tpu.memory_space<vmem_shared>>) target(%dma_start3A_21 : memref<632x128xf32, #tpu.memory_space<hbm>>) target_semaphore(%run_scoped3A : memref<!tpu.dma_semaphore, #tpu.memory_space<semaphore_mem>>)
        %dma_wait3A = arith.constant 0 : i32
        %dma_wait3A_24 = tpu.memref_slice %arg6[%mul3A_20, %dma_wait3A] : memref<10112x128xf32, #tpu.memory_space<hbm>> -> memref<632x128xf32, #tpu.memory_space<hbm>>
        %dma_wait3A_25 = arith.constant 0 : i32
        %dma_wait3A_26 = tpu.memref_slice %arg12[%mul3A_18, %dma_wait3A_25] : memref<10112x128xf32, #tpu.memory_space<vmem_shared>> -> memref<632x128xf32, #tpu.memory_space<vmem_shared>>
        tpu.wait_dma2 semaphore(%run_scoped3A : memref<!tpu.dma_semaphore, #tpu.memory_space<semaphore_mem>>) src(%dma_wait3A_26 : memref<632x128xf32, #tpu.memory_space<vmem_shared>>) dst(%dma_wait3A_24 : memref<632x128xf32, #tpu.memory_space<hbm>>)
        tpu.yield
      }) : () -> ()
    } else {
    }
    %eq3A_12 = arith.constant 1 : i32
    %eq3A_13 = arith.cmpi eq, %arg0, %eq3A_12 : i32
    %convert_element_type3A_14 = arith.extui %eq3A_13 : i1 to i32
    %cond3A_15 = arith.constant 0 : i32
    %cond3A_16 = arith.cmpi ne, %convert_element_type3A_14, %cond3A_15 : i32
    scf.if %cond3A_16 {
      %mul3A_17 = arith.constant 632 : i32
      %mul3A_18 = arith.muli %arg1, %mul3A_17 : i32
      %mul3A_19 = arith.constant 632 : i32
      %mul3A_20 = arith.muli %arg1, %mul3A_19 : i32
      "tpu.region"() ({
        %run_scoped3A = tpu.sem_alloc : memref<!tpu.dma_semaphore, #tpu.memory_space<semaphore_mem>>
        %dma_start3A = arith.constant 0 : i32
        %dma_start3A_21 = tpu.memref_slice %arg7[%mul3A_20, %dma_start3A] : memref<10112x128xf32, #tpu.memory_space<hbm>> -> memref<632x128xf32, #tpu.memory_space<hbm>>
        %dma_start3A_22 = arith.constant 0 : i32
        %dma_start3A_23 = tpu.memref_slice %arg12[%mul3A_18, %dma_start3A_22] : memref<10112x128xf32, #tpu.memory_space<vmem_shared>> -> memref<632x128xf32, #tpu.memory_space<vmem_shared>>
        tpu.enqueue_dma source(%dma_start3A_23 : memref<632x128xf32, #tpu.memory_space<vmem_shared>>) target(%dma_start3A_21 : memref<632x128xf32, #tpu.memory_space<hbm>>) target_semaphore(%run_scoped3A : memref<!tpu.dma_semaphore, #tpu.memory_space<semaphore_mem>>)
        %dma_wait3A = arith.constant 0 : i32
        %dma_wait3A_24 = tpu.memref_slice %arg7[%mul3A_20, %dma_wait3A] : memref<10112x128xf32, #tpu.memory_space<hbm>> -> memref<632x128xf32, #tpu.memory_space<hbm>>
        %dma_wait3A_25 = arith.constant 0 : i32
        %dma_wait3A_26 = tpu.memref_slice %arg12[%mul3A_18, %dma_wait3A_25] : memref<10112x128xf32, #tpu.memory_space<vmem_shared>> -> memref<632x128xf32, #tpu.memory_space<vmem_shared>>
        tpu.wait_dma2 semaphore(%run_scoped3A : memref<!tpu.dma_semaphore, #tpu.memory_space<semaphore_mem>>) src(%dma_wait3A_26 : memref<632x128xf32, #tpu.memory_space<vmem_shared>>) dst(%dma_wait3A_24 : memref<632x128xf32, #tpu.memory_space<hbm>>)
        tpu.yield
      }) : () -> ()
    } else {
    }
    return
  }
}

#map = affine_map<(d0, d1) -> (0, 0)>
#map1 = affine_map<(d0, d1) -> (0, 0, 0, 0, 0)>
#map2 = affine_map<(d0, d1) -> (0, 0, 0, 0)>
module attributes {stable_mosaic.version = 14 : i64} {
  func.func @seg_kernel(%arg0: i32, %arg1: i32, %arg2: memref<20000x128xf32, #tpu.memory_space<hbm>>, %arg3: memref<2x16x6x28x120xi32, #tpu.memory_space<hbm>>, %arg4: memref<16x6x28x120xi32, #tpu.memory_space<hbm>>, %arg5: memref<632x128xf32, #tpu.memory_space<hbm>>, %arg6: memref<10112x128xf32, #tpu.memory_space<hbm>>, %arg7: memref<10112x128xf32, #tpu.memory_space<hbm>>, %arg8: memref<28x120xi32, #tpu.memory_space<vmem>>, %arg9: memref<28x120xi32, #tpu.memory_space<vmem>>, %arg10: memref<120x128xf32, #tpu.memory_space<vmem>>, %arg11: memref<120x128xf32, #tpu.memory_space<vmem>>, %arg12: memref<10112x128xf32, #tpu.memory_space<vmem_shared>>, %arg13: memref<!tpu.dma_semaphore, #tpu.memory_space<semaphore_mem>>, %arg14: memref<!tpu.dma_semaphore, #tpu.memory_space<semaphore_mem>>) attributes {dimension_semantics = [#tpu.dimension_semantics<core_parallel>, #tpu.dimension_semantics<subcore_parallel>], iteration_bounds = array<i64: 2, 16>, scalar_prefetch = 0 : i64, scratch_operands = 7 : i64, tpu.core_type = #tpu.core_type<sc_vector_subcore>, window_params = [{transform_indices = #map}, {transform_indices = #map1}, {transform_indices = #map2}, {transform_indices = #map}, {transform_indices = #map}, {transform_indices = #map}]} {
    %mul3A = arith.constant 632 : i32
    %mul3A_0 = arith.muli %arg1, %mul3A : i32
    "tpu.region"() ({
      %run_scoped3A = tpu.sem_alloc : memref<!tpu.dma_semaphore, #tpu.memory_space<semaphore_mem>>
      %dma_start3A = arith.constant 0 : i32
      %dma_start3A_15 = tpu.memref_slice %arg12[%mul3A_0, %dma_start3A] : memref<10112x128xf32, #tpu.memory_space<vmem_shared>> -> memref<632x128xf32, #tpu.memory_space<vmem_shared>>
      tpu.enqueue_dma source(%arg5 : memref<632x128xf32, #tpu.memory_space<hbm>>) target(%dma_start3A_15 : memref<632x128xf32, #tpu.memory_space<vmem_shared>>) target_semaphore(%run_scoped3A : memref<!tpu.dma_semaphore, #tpu.memory_space<semaphore_mem>>)
      %dma_wait3A = arith.constant 0 : i32
      %dma_wait3A_16 = tpu.memref_slice %arg12[%mul3A_0, %dma_wait3A] : memref<10112x128xf32, #tpu.memory_space<vmem_shared>> -> memref<632x128xf32, #tpu.memory_space<vmem_shared>>
      tpu.wait_dma2 semaphore(%run_scoped3A : memref<!tpu.dma_semaphore, #tpu.memory_space<semaphore_mem>>) src(%arg5 : memref<632x128xf32, #tpu.memory_space<hbm>>) dst(%dma_wait3A_16 : memref<632x128xf32, #tpu.memory_space<vmem_shared>>)
      tpu.yield
    }) : () -> ()
    %barrier3A = arith.constant 0 : index
    tpu.barrier barrier_id(%barrier3A)
    %scan3A = arith.constant 0 : i32
    %scan3A_1 = arith.constant 0 : i32
    %scan3A_2 = arith.constant 6 : i32
    %scan3A_3 = arith.addi %scan3A_1, %scan3A_2 : i32
    %scan3A_4 = arith.constant 1 : i32
    %scan3A_5 = scf.for %scan3A_15 = %scan3A_1 to %scan3A_3 step %scan3A_4 iter_args(%scan3A_16 = %scan3A) -> (i32)  : i32 {
      "tpu.region"() ({
        %run_scoped3A = tpu.sem_alloc : memref<!tpu.dma_semaphore, #tpu.memory_space<semaphore_mem>>
        %dma_start3A_51 = arith.constant 0 : i32
        %dma_start3A_52 = arith.constant 0 : i32
        %dma_start3A_53 = tpu.memref_slice %arg3[%arg0, %arg1, %scan3A_15, %dma_start3A_51, %dma_start3A_52] : memref<2x16x6x28x120xi32, #tpu.memory_space<hbm>> -> memref<1x1x1x28x120xi32, #tpu.memory_space<hbm>>
        %dma_start3A_54 = tpu.memref_squeeze %dma_start3A_53 : memref<1x1x1x28x120xi32, #tpu.memory_space<hbm>> -> memref<28x120xi32, #tpu.memory_space<hbm>>
        %dma_start3A_55 = arith.constant 0 : i32
        %dma_start3A_56 = arith.constant 0 : i32
        %dma_start3A_57 = tpu.memref_slice %arg3[%arg0, %arg1, %scan3A_15, %dma_start3A_55, %dma_start3A_56] : memref<2x16x6x28x120xi32, #tpu.memory_space<hbm>> -> memref<1x1x1x28x120xi32, #tpu.memory_space<hbm>>
        %dma_start3A_58 = tpu.memref_squeeze %dma_start3A_57 : memref<1x1x1x28x120xi32, #tpu.memory_space<hbm>> -> memref<28x120xi32, #tpu.memory_space<hbm>>
        tpu.enqueue_dma source(%dma_start3A_58 : memref<28x120xi32, #tpu.memory_space<hbm>>) target(%arg8 : memref<28x120xi32, #tpu.memory_space<vmem>>) target_semaphore(%run_scoped3A : memref<!tpu.dma_semaphore, #tpu.memory_space<semaphore_mem>>)
        %dma_wait3A_59 = arith.constant 0 : i32
        %dma_wait3A_60 = arith.constant 0 : i32
        %dma_wait3A_61 = tpu.memref_slice %arg3[%arg0, %arg1, %scan3A_15, %dma_wait3A_59, %dma_wait3A_60] : memref<2x16x6x28x120xi32, #tpu.memory_space<hbm>> -> memref<1x1x1x28x120xi32, #tpu.memory_space<hbm>>
        %dma_wait3A_62 = tpu.memref_squeeze %dma_wait3A_61 : memref<1x1x1x28x120xi32, #tpu.memory_space<hbm>> -> memref<28x120xi32, #tpu.memory_space<hbm>>
        %dma_wait3A_63 = arith.constant 0 : i32
        %dma_wait3A_64 = arith.constant 0 : i32
        %dma_wait3A_65 = tpu.memref_slice %arg3[%arg0, %arg1, %scan3A_15, %dma_wait3A_63, %dma_wait3A_64] : memref<2x16x6x28x120xi32, #tpu.memory_space<hbm>> -> memref<1x1x1x28x120xi32, #tpu.memory_space<hbm>>
        %dma_wait3A_66 = tpu.memref_squeeze %dma_wait3A_65 : memref<1x1x1x28x120xi32, #tpu.memory_space<hbm>> -> memref<28x120xi32, #tpu.memory_space<hbm>>
        tpu.wait_dma2 semaphore(%run_scoped3A : memref<!tpu.dma_semaphore, #tpu.memory_space<semaphore_mem>>) src(%dma_wait3A_66 : memref<28x120xi32, #tpu.memory_space<hbm>>) dst(%arg8 : memref<28x120xi32, #tpu.memory_space<vmem>>)
        tpu.yield
      }) : () -> ()
      "tpu.region"() ({
        %run_scoped3A = tpu.sem_alloc : memref<!tpu.dma_semaphore, #tpu.memory_space<semaphore_mem>>
        %dma_start3A_51 = arith.constant 0 : i32
        %dma_start3A_52 = arith.constant 0 : i32
        %dma_start3A_53 = tpu.memref_slice %arg4[%arg1, %scan3A_15, %dma_start3A_51, %dma_start3A_52] : memref<16x6x28x120xi32, #tpu.memory_space<hbm>> -> memref<1x1x28x120xi32, #tpu.memory_space<hbm>>
        %dma_start3A_54 = tpu.memref_squeeze %dma_start3A_53 : memref<1x1x28x120xi32, #tpu.memory_space<hbm>> -> memref<28x120xi32, #tpu.memory_space<hbm>>
        %dma_start3A_55 = arith.constant 0 : i32
        %dma_start3A_56 = arith.constant 0 : i32
        %dma_start3A_57 = tpu.memref_slice %arg4[%arg1, %scan3A_15, %dma_start3A_55, %dma_start3A_56] : memref<16x6x28x120xi32, #tpu.memory_space<hbm>> -> memref<1x1x28x120xi32, #tpu.memory_space<hbm>>
        %dma_start3A_58 = tpu.memref_squeeze %dma_start3A_57 : memref<1x1x28x120xi32, #tpu.memory_space<hbm>> -> memref<28x120xi32, #tpu.memory_space<hbm>>
        tpu.enqueue_dma source(%dma_start3A_58 : memref<28x120xi32, #tpu.memory_space<hbm>>) target(%arg9 : memref<28x120xi32, #tpu.memory_space<vmem>>) target_semaphore(%run_scoped3A : memref<!tpu.dma_semaphore, #tpu.memory_space<semaphore_mem>>)
        %dma_wait3A_59 = arith.constant 0 : i32
        %dma_wait3A_60 = arith.constant 0 : i32
        %dma_wait3A_61 = tpu.memref_slice %arg4[%arg1, %scan3A_15, %dma_wait3A_59, %dma_wait3A_60] : memref<16x6x28x120xi32, #tpu.memory_space<hbm>> -> memref<1x1x28x120xi32, #tpu.memory_space<hbm>>
        %dma_wait3A_62 = tpu.memref_squeeze %dma_wait3A_61 : memref<1x1x28x120xi32, #tpu.memory_space<hbm>> -> memref<28x120xi32, #tpu.memory_space<hbm>>
        %dma_wait3A_63 = arith.constant 0 : i32
        %dma_wait3A_64 = arith.constant 0 : i32
        %dma_wait3A_65 = tpu.memref_slice %arg4[%arg1, %scan3A_15, %dma_wait3A_63, %dma_wait3A_64] : memref<16x6x28x120xi32, #tpu.memory_space<hbm>> -> memref<1x1x28x120xi32, #tpu.memory_space<hbm>>
        %dma_wait3A_66 = tpu.memref_squeeze %dma_wait3A_65 : memref<1x1x28x120xi32, #tpu.memory_space<hbm>> -> memref<28x120xi32, #tpu.memory_space<hbm>>
        tpu.wait_dma2 semaphore(%run_scoped3A : memref<!tpu.dma_semaphore, #tpu.memory_space<semaphore_mem>>) src(%dma_wait3A_66 : memref<28x120xi32, #tpu.memory_space<hbm>>) dst(%arg9 : memref<28x120xi32, #tpu.memory_space<vmem>>)
        tpu.yield
      }) : () -> ()
      %dma_start3A = arith.constant 0 : i32
      %dma_start3A_17 = arith.constant 0 : i32
      %dma_start3A_18 = tpu.memref_slice %arg8[%dma_start3A, %dma_start3A_17] : memref<28x120xi32, #tpu.memory_space<vmem>> -> memref<1x120xi32, #tpu.memory_space<vmem>>
      %dma_start3A_19 = tpu.memref_squeeze %dma_start3A_18 : memref<1x120xi32, #tpu.memory_space<vmem>> -> memref<120xi32, #tpu.memory_space<vmem>>
      %dma_start3A_20 = arith.constant 0 : i32
      %dma_start3A_21 = arith.constant 0 : i32
      %dma_start3A_22 = tpu.memref_slice %arg2[%dma_start3A_20, %dma_start3A_21] : memref<20000x128xf32, #tpu.memory_space<hbm>> -> memref<20000x128xf32, #tpu.memory_space<hbm>>
      tpu.enqueue_indirect_dma source(%dma_start3A_22 : memref<20000x128xf32, #tpu.memory_space<hbm>>) target(%arg10 : memref<120x128xf32, #tpu.memory_space<vmem>>) offsets(%dma_start3A_19 : memref<120xi32, #tpu.memory_space<vmem>>) semaphore(%arg13 : memref<!tpu.dma_semaphore, #tpu.memory_space<semaphore_mem>>)
      %dma_start3A_23 = arith.constant 1 : i32
      %dma_start3A_24 = arith.constant 0 : i32
      %dma_start3A_25 = tpu.memref_slice %arg8[%dma_start3A_23, %dma_start3A_24] : memref<28x120xi32, #tpu.memory_space<vmem>> -> memref<1x120xi32, #tpu.memory_space<vmem>>
      %dma_start3A_26 = tpu.memref_squeeze %dma_start3A_25 : memref<1x120xi32, #tpu.memory_space<vmem>> -> memref<120xi32, #tpu.memory_space<vmem>>
      %dma_start3A_27 = arith.constant 0 : i32
      %dma_start3A_28 = arith.constant 0 : i32
      %dma_start3A_29 = tpu.memref_slice %arg2[%dma_start3A_27, %dma_start3A_28] : memref<20000x128xf32, #tpu.memory_space<hbm>> -> memref<20000x128xf32, #tpu.memory_space<hbm>>
      tpu.enqueue_indirect_dma source(%dma_start3A_29 : memref<20000x128xf32, #tpu.memory_space<hbm>>) target(%arg11 : memref<120x128xf32, #tpu.memory_space<vmem>>) offsets(%dma_start3A_26 : memref<120xi32, #tpu.memory_space<vmem>>) semaphore(%arg14 : memref<!tpu.dma_semaphore, #tpu.memory_space<semaphore_mem>>)
      %scan3A_30 = arith.constant 0 : i32
      %scan3A_31 = arith.constant 0 : i32
      %scan3A_32 = arith.constant 14 : i32
      %scan3A_33 = arith.addi %scan3A_31, %scan3A_32 : i32
      %scan3A_34 = arith.constant 1 : i32
      %scan3A_35 = scf.for %scan3A_51 = %scan3A_31 to %scan3A_33 step %scan3A_34 iter_args(%scan3A_52 = %scan3A_30) -> (i32)  : i32 {
        %mul3A_53 = arith.constant 2 : i32
        %mul3A_54 = arith.muli %mul3A_53, %scan3A_51 : i32
        %add3A = arith.constant 1 : i32
        %add3A_55 = arith.addi %mul3A_54, %add3A : i32
        %dma_wait3A_56 = arith.constant 0 : i32
        %dma_wait3A_57 = tpu.memref_slice %arg8[%mul3A_54, %dma_wait3A_56] : memref<28x120xi32, #tpu.memory_space<vmem>> -> memref<1x120xi32, #tpu.memory_space<vmem>>
        %dma_wait3A_58 = tpu.memref_squeeze %dma_wait3A_57 : memref<1x120xi32, #tpu.memory_space<vmem>> -> memref<120xi32, #tpu.memory_space<vmem>>
        %dma_wait3A_59 = arith.constant 0 : i32
        %dma_wait3A_60 = arith.constant 0 : i32
        %dma_wait3A_61 = tpu.memref_slice %arg2[%dma_wait3A_59, %dma_wait3A_60] : memref<20000x128xf32, #tpu.memory_space<hbm>> -> memref<20000x128xf32, #tpu.memory_space<hbm>>
        tpu.wait_indirect_dma semaphore(%arg13 : memref<!tpu.dma_semaphore, #tpu.memory_space<semaphore_mem>>) src(%dma_wait3A_61 : memref<20000x128xf32, #tpu.memory_space<hbm>>) dst(%arg10 : memref<120x128xf32, #tpu.memory_space<vmem>>)
        "tpu.region"() ({
          %run_scoped3A = tpu.sem_alloc : memref<!tpu.dma_semaphore, #tpu.memory_space<semaphore_mem>>
          %dma_start3A_88 = arith.constant 0 : i32
          %dma_start3A_89 = tpu.memref_slice %arg9[%mul3A_54, %dma_start3A_88] : memref<28x120xi32, #tpu.memory_space<vmem>> -> memref<1x120xi32, #tpu.memory_space<vmem>>
          %dma_start3A_90 = tpu.memref_squeeze %dma_start3A_89 : memref<1x120xi32, #tpu.memory_space<vmem>> -> memref<120xi32, #tpu.memory_space<vmem>>
          %dma_start3A_91 = arith.constant 0 : i32
          %dma_start3A_92 = arith.constant 0 : i32
          %dma_start3A_93 = tpu.memref_slice %arg12[%dma_start3A_91, %dma_start3A_92] : memref<10112x128xf32, #tpu.memory_space<vmem_shared>> -> memref<10112x128xf32, #tpu.memory_space<vmem_shared>>
          tpu.enqueue_indirect_dma source(%arg10 : memref<120x128xf32, #tpu.memory_space<vmem>>) target(%dma_start3A_93 : memref<10112x128xf32, #tpu.memory_space<vmem_shared>>) offsets(%dma_start3A_90 : memref<120xi32, #tpu.memory_space<vmem>>) semaphore(%run_scoped3A : memref<!tpu.dma_semaphore, #tpu.memory_space<semaphore_mem>>) {add = true}
          %dma_wait3A_94 = arith.constant 0 : i32
          %dma_wait3A_95 = tpu.memref_slice %arg9[%mul3A_54, %dma_wait3A_94] : memref<28x120xi32, #tpu.memory_space<vmem>> -> memref<1x120xi32, #tpu.memory_space<vmem>>
          %dma_wait3A_96 = tpu.memref_squeeze %dma_wait3A_95 : memref<1x120xi32, #tpu.memory_space<vmem>> -> memref<120xi32, #tpu.memory_space<vmem>>
          %dma_wait3A_97 = arith.constant 0 : i32
          %dma_wait3A_98 = arith.constant 0 : i32
          %dma_wait3A_99 = tpu.memref_slice %arg12[%dma_wait3A_97, %dma_wait3A_98] : memref<10112x128xf32, #tpu.memory_space<vmem_shared>> -> memref<10112x128xf32, #tpu.memory_space<vmem_shared>>
          tpu.wait_indirect_dma semaphore(%run_scoped3A : memref<!tpu.dma_semaphore, #tpu.memory_space<semaphore_mem>>) src(%arg10 : memref<120x128xf32, #tpu.memory_space<vmem>>) dst(%dma_wait3A_99 : memref<10112x128xf32, #tpu.memory_space<vmem_shared>>)
          tpu.yield
        }) : () -> ()
        %add3A_62 = arith.constant 2 : i32
        %add3A_63 = arith.addi %mul3A_54, %add3A_62 : i32
        %min3A = arith.constant 27 : i32
        %min3A_64 = arith.minsi %add3A_63, %min3A : i32
        %dma_start3A_65 = arith.constant 0 : i32
        %dma_start3A_66 = tpu.memref_slice %arg8[%min3A_64, %dma_start3A_65] : memref<28x120xi32, #tpu.memory_space<vmem>> -> memref<1x120xi32, #tpu.memory_space<vmem>>
        %dma_start3A_67 = tpu.memref_squeeze %dma_start3A_66 : memref<1x120xi32, #tpu.memory_space<vmem>> -> memref<120xi32, #tpu.memory_space<vmem>>
        %dma_start3A_68 = arith.constant 0 : i32
        %dma_start3A_69 = arith.constant 0 : i32
        %dma_start3A_70 = tpu.memref_slice %arg2[%dma_start3A_68, %dma_start3A_69] : memref<20000x128xf32, #tpu.memory_space<hbm>> -> memref<20000x128xf32, #tpu.memory_space<hbm>>
        tpu.enqueue_indirect_dma source(%dma_start3A_70 : memref<20000x128xf32, #tpu.memory_space<hbm>>) target(%arg10 : memref<120x128xf32, #tpu.memory_space<vmem>>) offsets(%dma_start3A_67 : memref<120xi32, #tpu.memory_space<vmem>>) semaphore(%arg13 : memref<!tpu.dma_semaphore, #tpu.memory_space<semaphore_mem>>)
        %dma_wait3A_71 = arith.constant 0 : i32
        %dma_wait3A_72 = tpu.memref_slice %arg8[%add3A_55, %dma_wait3A_71] : memref<28x120xi32, #tpu.memory_space<vmem>> -> memref<1x120xi32, #tpu.memory_space<vmem>>
        %dma_wait3A_73 = tpu.memref_squeeze %dma_wait3A_72 : memref<1x120xi32, #tpu.memory_space<vmem>> -> memref<120xi32, #tpu.memory_space<vmem>>
        %dma_wait3A_74 = arith.constant 0 : i32
        %dma_wait3A_75 = arith.constant 0 : i32
        %dma_wait3A_76 = tpu.memref_slice %arg2[%dma_wait3A_74, %dma_wait3A_75] : memref<20000x128xf32, #tpu.memory_space<hbm>> -> memref<20000x128xf32, #tpu.memory_space<hbm>>
        tpu.wait_indirect_dma semaphore(%arg14 : memref<!tpu.dma_semaphore, #tpu.memory_space<semaphore_mem>>) src(%dma_wait3A_76 : memref<20000x128xf32, #tpu.memory_space<hbm>>) dst(%arg11 : memref<120x128xf32, #tpu.memory_space<vmem>>)
        "tpu.region"() ({
          %run_scoped3A = tpu.sem_alloc : memref<!tpu.dma_semaphore, #tpu.memory_space<semaphore_mem>>
          %dma_start3A_88 = arith.constant 0 : i32
          %dma_start3A_89 = tpu.memref_slice %arg9[%add3A_55, %dma_start3A_88] : memref<28x120xi32, #tpu.memory_space<vmem>> -> memref<1x120xi32, #tpu.memory_space<vmem>>
          %dma_start3A_90 = tpu.memref_squeeze %dma_start3A_89 : memref<1x120xi32, #tpu.memory_space<vmem>> -> memref<120xi32, #tpu.memory_space<vmem>>
          %dma_start3A_91 = arith.constant 0 : i32
          %dma_start3A_92 = arith.constant 0 : i32
          %dma_start3A_93 = tpu.memref_slice %arg12[%dma_start3A_91, %dma_start3A_92] : memref<10112x128xf32, #tpu.memory_space<vmem_shared>> -> memref<10112x128xf32, #tpu.memory_space<vmem_shared>>
          tpu.enqueue_indirect_dma source(%arg11 : memref<120x128xf32, #tpu.memory_space<vmem>>) target(%dma_start3A_93 : memref<10112x128xf32, #tpu.memory_space<vmem_shared>>) offsets(%dma_start3A_90 : memref<120xi32, #tpu.memory_space<vmem>>) semaphore(%run_scoped3A : memref<!tpu.dma_semaphore, #tpu.memory_space<semaphore_mem>>) {add = true}
          %dma_wait3A_94 = arith.constant 0 : i32
          %dma_wait3A_95 = tpu.memref_slice %arg9[%add3A_55, %dma_wait3A_94] : memref<28x120xi32, #tpu.memory_space<vmem>> -> memref<1x120xi32, #tpu.memory_space<vmem>>
          %dma_wait3A_96 = tpu.memref_squeeze %dma_wait3A_95 : memref<1x120xi32, #tpu.memory_space<vmem>> -> memref<120xi32, #tpu.memory_space<vmem>>
          %dma_wait3A_97 = arith.constant 0 : i32
          %dma_wait3A_98 = arith.constant 0 : i32
          %dma_wait3A_99 = tpu.memref_slice %arg12[%dma_wait3A_97, %dma_wait3A_98] : memref<10112x128xf32, #tpu.memory_space<vmem_shared>> -> memref<10112x128xf32, #tpu.memory_space<vmem_shared>>
          tpu.wait_indirect_dma semaphore(%run_scoped3A : memref<!tpu.dma_semaphore, #tpu.memory_space<semaphore_mem>>) src(%arg11 : memref<120x128xf32, #tpu.memory_space<vmem>>) dst(%dma_wait3A_99 : memref<10112x128xf32, #tpu.memory_space<vmem_shared>>)
          tpu.yield
        }) : () -> ()
        %add3A_77 = arith.constant 2 : i32
        %add3A_78 = arith.addi %add3A_55, %add3A_77 : i32
        %min3A_79 = arith.constant 27 : i32
        %min3A_80 = arith.minsi %add3A_78, %min3A_79 : i32
        %dma_start3A_81 = arith.constant 0 : i32
        %dma_start3A_82 = tpu.memref_slice %arg8[%min3A_80, %dma_start3A_81] : memref<28x120xi32, #tpu.memory_space<vmem>> -> memref<1x120xi32, #tpu.memory_space<vmem>>
        %dma_start3A_83 = tpu.memref_squeeze %dma_start3A_82 : memref<1x120xi32, #tpu.memory_space<vmem>> -> memref<120xi32, #tpu.memory_space<vmem>>
        %dma_start3A_84 = arith.constant 0 : i32
        %dma_start3A_85 = arith.constant 0 : i32
        %dma_start3A_86 = tpu.memref_slice %arg2[%dma_start3A_84, %dma_start3A_85] : memref<20000x128xf32, #tpu.memory_space<hbm>> -> memref<20000x128xf32, #tpu.memory_space<hbm>>
        tpu.enqueue_indirect_dma source(%dma_start3A_86 : memref<20000x128xf32, #tpu.memory_space<hbm>>) target(%arg11 : memref<120x128xf32, #tpu.memory_space<vmem>>) offsets(%dma_start3A_83 : memref<120xi32, #tpu.memory_space<vmem>>) semaphore(%arg14 : memref<!tpu.dma_semaphore, #tpu.memory_space<semaphore_mem>>)
        %scan3A_87 = arith.constant 0 : i32
        scf.yield %scan3A_87 : i32
      }
      %scan3A_36 = arith.constant 14 : i32
      %dma_wait3A = arith.constant 0 : i32
      %dma_wait3A_37 = arith.constant 0 : i32
      %dma_wait3A_38 = tpu.memref_slice %arg8[%dma_wait3A, %dma_wait3A_37] : memref<28x120xi32, #tpu.memory_space<vmem>> -> memref<1x120xi32, #tpu.memory_space<vmem>>
      %dma_wait3A_39 = tpu.memref_squeeze %dma_wait3A_38 : memref<1x120xi32, #tpu.memory_space<vmem>> -> memref<120xi32, #tpu.memory_space<vmem>>
      %dma_wait3A_40 = arith.constant 0 : i32
      %dma_wait3A_41 = arith.constant 0 : i32
      %dma_wait3A_42 = tpu.memref_slice %arg2[%dma_wait3A_40, %dma_wait3A_41] : memref<20000x128xf32, #tpu.memory_space<hbm>> -> memref<20000x128xf32, #tpu.memory_space<hbm>>
      tpu.wait_indirect_dma semaphore(%arg13 : memref<!tpu.dma_semaphore, #tpu.memory_space<semaphore_mem>>) src(%dma_wait3A_42 : memref<20000x128xf32, #tpu.memory_space<hbm>>) dst(%arg10 : memref<120x128xf32, #tpu.memory_space<vmem>>)
      %dma_wait3A_43 = arith.constant 0 : i32
      %dma_wait3A_44 = arith.constant 0 : i32
      %dma_wait3A_45 = tpu.memref_slice %arg8[%dma_wait3A_43, %dma_wait3A_44] : memref<28x120xi32, #tpu.memory_space<vmem>> -> memref<1x120xi32, #tpu.memory_space<vmem>>
      %dma_wait3A_46 = tpu.memref_squeeze %dma_wait3A_45 : memref<1x120xi32, #tpu.memory_space<vmem>> -> memref<120xi32, #tpu.memory_space<vmem>>
      %dma_wait3A_47 = arith.constant 0 : i32
      %dma_wait3A_48 = arith.constant 0 : i32
      %dma_wait3A_49 = tpu.memref_slice %arg2[%dma_wait3A_47, %dma_wait3A_48] : memref<20000x128xf32, #tpu.memory_space<hbm>> -> memref<20000x128xf32, #tpu.memory_space<hbm>>
      tpu.wait_indirect_dma semaphore(%arg14 : memref<!tpu.dma_semaphore, #tpu.memory_space<semaphore_mem>>) src(%dma_wait3A_49 : memref<20000x128xf32, #tpu.memory_space<hbm>>) dst(%arg11 : memref<120x128xf32, #tpu.memory_space<vmem>>)
      %scan3A_50 = arith.constant 0 : i32
      scf.yield %scan3A_50 : i32
    }
    %scan3A_6 = arith.constant 6 : i32
    %barrier3A_7 = arith.constant 0 : index
    tpu.barrier barrier_id(%barrier3A_7)
    %eq3A = arith.constant 0 : i32
    %eq3A_8 = arith.cmpi eq, %arg0, %eq3A : i32
    %convert_element_type3A = arith.extui %eq3A_8 : i1 to i32
    %cond3A = arith.constant 0 : i32
    %cond3A_9 = arith.cmpi ne, %convert_element_type3A, %cond3A : i32
    scf.if %cond3A_9 {
      %mul3A_15 = arith.constant 632 : i32
      %mul3A_16 = arith.muli %arg1, %mul3A_15 : i32
      %mul3A_17 = arith.constant 632 : i32
      %mul3A_18 = arith.muli %arg1, %mul3A_17 : i32
      "tpu.region"() ({
        %run_scoped3A = tpu.sem_alloc : memref<!tpu.dma_semaphore, #tpu.memory_space<semaphore_mem>>
        %dma_start3A = arith.constant 0 : i32
        %dma_start3A_19 = tpu.memref_slice %arg6[%mul3A_18, %dma_start3A] : memref<10112x128xf32, #tpu.memory_space<hbm>> -> memref<632x128xf32, #tpu.memory_space<hbm>>
        %dma_start3A_20 = arith.constant 0 : i32
        %dma_start3A_21 = tpu.memref_slice %arg12[%mul3A_16, %dma_start3A_20] : memref<10112x128xf32, #tpu.memory_space<vmem_shared>> -> memref<632x128xf32, #tpu.memory_space<vmem_shared>>
        tpu.enqueue_dma source(%dma_start3A_21 : memref<632x128xf32, #tpu.memory_space<vmem_shared>>) target(%dma_start3A_19 : memref<632x128xf32, #tpu.memory_space<hbm>>) target_semaphore(%run_scoped3A : memref<!tpu.dma_semaphore, #tpu.memory_space<semaphore_mem>>)
        %dma_wait3A = arith.constant 0 : i32
        %dma_wait3A_22 = tpu.memref_slice %arg6[%mul3A_18, %dma_wait3A] : memref<10112x128xf32, #tpu.memory_space<hbm>> -> memref<632x128xf32, #tpu.memory_space<hbm>>
        %dma_wait3A_23 = arith.constant 0 : i32
        %dma_wait3A_24 = tpu.memref_slice %arg12[%mul3A_16, %dma_wait3A_23] : memref<10112x128xf32, #tpu.memory_space<vmem_shared>> -> memref<632x128xf32, #tpu.memory_space<vmem_shared>>
        tpu.wait_dma2 semaphore(%run_scoped3A : memref<!tpu.dma_semaphore, #tpu.memory_space<semaphore_mem>>) src(%dma_wait3A_24 : memref<632x128xf32, #tpu.memory_space<vmem_shared>>) dst(%dma_wait3A_22 : memref<632x128xf32, #tpu.memory_space<hbm>>)
        tpu.yield
      }) : () -> ()
    } else {
    }
    %eq3A_10 = arith.constant 1 : i32
    %eq3A_11 = arith.cmpi eq, %arg0, %eq3A_10 : i32
    %convert_element_type3A_12 = arith.extui %eq3A_11 : i1 to i32
    %cond3A_13 = arith.constant 0 : i32
    %cond3A_14 = arith.cmpi ne, %convert_element_type3A_12, %cond3A_13 : i32
    scf.if %cond3A_14 {
      %mul3A_15 = arith.constant 632 : i32
      %mul3A_16 = arith.muli %arg1, %mul3A_15 : i32
      %mul3A_17 = arith.constant 632 : i32
      %mul3A_18 = arith.muli %arg1, %mul3A_17 : i32
      "tpu.region"() ({
        %run_scoped3A = tpu.sem_alloc : memref<!tpu.dma_semaphore, #tpu.memory_space<semaphore_mem>>
        %dma_start3A = arith.constant 0 : i32
        %dma_start3A_19 = tpu.memref_slice %arg7[%mul3A_18, %dma_start3A] : memref<10112x128xf32, #tpu.memory_space<hbm>> -> memref<632x128xf32, #tpu.memory_space<hbm>>
        %dma_start3A_20 = arith.constant 0 : i32
        %dma_start3A_21 = tpu.memref_slice %arg12[%mul3A_16, %dma_start3A_20] : memref<10112x128xf32, #tpu.memory_space<vmem_shared>> -> memref<632x128xf32, #tpu.memory_space<vmem_shared>>
        tpu.enqueue_dma source(%dma_start3A_21 : memref<632x128xf32, #tpu.memory_space<vmem_shared>>) target(%dma_start3A_19 : memref<632x128xf32, #tpu.memory_space<hbm>>) target_semaphore(%run_scoped3A : memref<!tpu.dma_semaphore, #tpu.memory_space<semaphore_mem>>)
        %dma_wait3A = arith.constant 0 : i32
        %dma_wait3A_22 = tpu.memref_slice %arg7[%mul3A_18, %dma_wait3A] : memref<10112x128xf32, #tpu.memory_space<hbm>> -> memref<632x128xf32, #tpu.memory_space<hbm>>
        %dma_wait3A_23 = arith.constant 0 : i32
        %dma_wait3A_24 = tpu.memref_slice %arg12[%mul3A_16, %dma_wait3A_23] : memref<10112x128xf32, #tpu.memory_space<vmem_shared>> -> memref<632x128xf32, #tpu.memory_space<vmem_shared>>
        tpu.wait_dma2 semaphore(%run_scoped3A : memref<!tpu.dma_semaphore, #tpu.memory_space<semaphore_mem>>) src(%dma_wait3A_24 : memref<632x128xf32, #tpu.memory_space<vmem_shared>>) dst(%dma_wait3A_22 : memref<632x128xf32, #tpu.memory_space<hbm>>)
        tpu.yield
      }) : () -> ()
    } else {
    }
    return
  }
}

#map = affine_map<(d0, d1) -> (0, 0)>
#map1 = affine_map<(d0, d1) -> (0, 0, 0, 0, 0)>
#map2 = affine_map<(d0, d1) -> (0, 0, 0, 0)>
module attributes {stable_mosaic.version = 14 : i64} {
  func.func @seg_kernel(%arg0: i32, %arg1: i32, %arg2: memref<20000x128xf32, #tpu.memory_space<hbm>>, %arg3: memref<2x16x6x28x120xi32, #tpu.memory_space<hbm>>, %arg4: memref<16x6x28x120xi32, #tpu.memory_space<hbm>>, %arg5: memref<632x128xf32, #tpu.memory_space<hbm>>, %arg6: memref<10112x128xf32, #tpu.memory_space<hbm>>, %arg7: memref<10112x128xf32, #tpu.memory_space<hbm>>, %arg8: memref<28x120xi32, #tpu.memory_space<vmem>>, %arg9: memref<28x120xi32, #tpu.memory_space<vmem>>, %arg10: memref<120x128xf32, #tpu.memory_space<vmem>>, %arg11: memref<120x128xf32, #tpu.memory_space<vmem>>, %arg12: memref<10112x128xf32, #tpu.memory_space<vmem_shared>>, %arg13: memref<!tpu.dma_semaphore, #tpu.memory_space<semaphore_mem>>, %arg14: memref<!tpu.dma_semaphore, #tpu.memory_space<semaphore_mem>>) attributes {dimension_semantics = [#tpu.dimension_semantics<core_parallel>, #tpu.dimension_semantics<subcore_parallel>], iteration_bounds = array<i64: 2, 16>, scalar_prefetch = 0 : i64, scratch_operands = 7 : i64, tpu.core_type = #tpu.core_type<sc_vector_subcore>, window_params = [{transform_indices = #map}, {transform_indices = #map1}, {transform_indices = #map2}, {transform_indices = #map}, {transform_indices = #map}, {transform_indices = #map}]} {
    %mul3A = arith.constant 632 : i32
    %mul3A_0 = arith.muli %arg1, %mul3A : i32
    "tpu.region"() ({
      %run_scoped3A = tpu.sem_alloc : memref<!tpu.dma_semaphore, #tpu.memory_space<semaphore_mem>>
      %dma_start3A = arith.constant 0 : i32
      %dma_start3A_15 = tpu.memref_slice %arg12[%mul3A_0, %dma_start3A] : memref<10112x128xf32, #tpu.memory_space<vmem_shared>> -> memref<632x128xf32, #tpu.memory_space<vmem_shared>>
      tpu.enqueue_dma source(%arg5 : memref<632x128xf32, #tpu.memory_space<hbm>>) target(%dma_start3A_15 : memref<632x128xf32, #tpu.memory_space<vmem_shared>>) target_semaphore(%run_scoped3A : memref<!tpu.dma_semaphore, #tpu.memory_space<semaphore_mem>>)
      %dma_wait3A = arith.constant 0 : i32
      %dma_wait3A_16 = tpu.memref_slice %arg12[%mul3A_0, %dma_wait3A] : memref<10112x128xf32, #tpu.memory_space<vmem_shared>> -> memref<632x128xf32, #tpu.memory_space<vmem_shared>>
      tpu.wait_dma2 semaphore(%run_scoped3A : memref<!tpu.dma_semaphore, #tpu.memory_space<semaphore_mem>>) src(%arg5 : memref<632x128xf32, #tpu.memory_space<hbm>>) dst(%dma_wait3A_16 : memref<632x128xf32, #tpu.memory_space<vmem_shared>>)
      tpu.yield
    }) : () -> ()
    %barrier3A = arith.constant 0 : index
    tpu.barrier barrier_id(%barrier3A)
    %scan3A = arith.constant 0 : i32
    %scan3A_1 = arith.constant 0 : i32
    %scan3A_2 = arith.constant 6 : i32
    %scan3A_3 = arith.addi %scan3A_1, %scan3A_2 : i32
    %scan3A_4 = arith.constant 1 : i32
    %scan3A_5 = scf.for %scan3A_15 = %scan3A_1 to %scan3A_3 step %scan3A_4 iter_args(%scan3A_16 = %scan3A) -> (i32)  : i32 {
      "tpu.region"() ({
        %run_scoped3A = tpu.sem_alloc : memref<!tpu.dma_semaphore, #tpu.memory_space<semaphore_mem>>
        %dma_start3A_51 = arith.constant 0 : i32
        %dma_start3A_52 = arith.constant 0 : i32
        %dma_start3A_53 = tpu.memref_slice %arg3[%arg0, %arg1, %scan3A_15, %dma_start3A_51, %dma_start3A_52] : memref<2x16x6x28x120xi32, #tpu.memory_space<hbm>> -> memref<1x1x1x28x120xi32, #tpu.memory_space<hbm>>
        %dma_start3A_54 = tpu.memref_squeeze %dma_start3A_53 : memref<1x1x1x28x120xi32, #tpu.memory_space<hbm>> -> memref<28x120xi32, #tpu.memory_space<hbm>>
        %dma_start3A_55 = arith.constant 0 : i32
        %dma_start3A_56 = arith.constant 0 : i32
        %dma_start3A_57 = tpu.memref_slice %arg3[%arg0, %arg1, %scan3A_15, %dma_start3A_55, %dma_start3A_56] : memref<2x16x6x28x120xi32, #tpu.memory_space<hbm>> -> memref<1x1x1x28x120xi32, #tpu.memory_space<hbm>>
        %dma_start3A_58 = tpu.memref_squeeze %dma_start3A_57 : memref<1x1x1x28x120xi32, #tpu.memory_space<hbm>> -> memref<28x120xi32, #tpu.memory_space<hbm>>
        tpu.enqueue_dma source(%dma_start3A_58 : memref<28x120xi32, #tpu.memory_space<hbm>>) target(%arg8 : memref<28x120xi32, #tpu.memory_space<vmem>>) target_semaphore(%run_scoped3A : memref<!tpu.dma_semaphore, #tpu.memory_space<semaphore_mem>>)
        %dma_wait3A_59 = arith.constant 0 : i32
        %dma_wait3A_60 = arith.constant 0 : i32
        %dma_wait3A_61 = tpu.memref_slice %arg3[%arg0, %arg1, %scan3A_15, %dma_wait3A_59, %dma_wait3A_60] : memref<2x16x6x28x120xi32, #tpu.memory_space<hbm>> -> memref<1x1x1x28x120xi32, #tpu.memory_space<hbm>>
        %dma_wait3A_62 = tpu.memref_squeeze %dma_wait3A_61 : memref<1x1x1x28x120xi32, #tpu.memory_space<hbm>> -> memref<28x120xi32, #tpu.memory_space<hbm>>
        %dma_wait3A_63 = arith.constant 0 : i32
        %dma_wait3A_64 = arith.constant 0 : i32
        %dma_wait3A_65 = tpu.memref_slice %arg3[%arg0, %arg1, %scan3A_15, %dma_wait3A_63, %dma_wait3A_64] : memref<2x16x6x28x120xi32, #tpu.memory_space<hbm>> -> memref<1x1x1x28x120xi32, #tpu.memory_space<hbm>>
        %dma_wait3A_66 = tpu.memref_squeeze %dma_wait3A_65 : memref<1x1x1x28x120xi32, #tpu.memory_space<hbm>> -> memref<28x120xi32, #tpu.memory_space<hbm>>
        tpu.wait_dma2 semaphore(%run_scoped3A : memref<!tpu.dma_semaphore, #tpu.memory_space<semaphore_mem>>) src(%dma_wait3A_66 : memref<28x120xi32, #tpu.memory_space<hbm>>) dst(%arg8 : memref<28x120xi32, #tpu.memory_space<vmem>>)
        tpu.yield
      }) : () -> ()
      "tpu.region"() ({
        %run_scoped3A = tpu.sem_alloc : memref<!tpu.dma_semaphore, #tpu.memory_space<semaphore_mem>>
        %dma_start3A_51 = arith.constant 0 : i32
        %dma_start3A_52 = arith.constant 0 : i32
        %dma_start3A_53 = tpu.memref_slice %arg4[%arg1, %scan3A_15, %dma_start3A_51, %dma_start3A_52] : memref<16x6x28x120xi32, #tpu.memory_space<hbm>> -> memref<1x1x28x120xi32, #tpu.memory_space<hbm>>
        %dma_start3A_54 = tpu.memref_squeeze %dma_start3A_53 : memref<1x1x28x120xi32, #tpu.memory_space<hbm>> -> memref<28x120xi32, #tpu.memory_space<hbm>>
        %dma_start3A_55 = arith.constant 0 : i32
        %dma_start3A_56 = arith.constant 0 : i32
        %dma_start3A_57 = tpu.memref_slice %arg4[%arg1, %scan3A_15, %dma_start3A_55, %dma_start3A_56] : memref<16x6x28x120xi32, #tpu.memory_space<hbm>> -> memref<1x1x28x120xi32, #tpu.memory_space<hbm>>
        %dma_start3A_58 = tpu.memref_squeeze %dma_start3A_57 : memref<1x1x28x120xi32, #tpu.memory_space<hbm>> -> memref<28x120xi32, #tpu.memory_space<hbm>>
        tpu.enqueue_dma source(%dma_start3A_58 : memref<28x120xi32, #tpu.memory_space<hbm>>) target(%arg9 : memref<28x120xi32, #tpu.memory_space<vmem>>) target_semaphore(%run_scoped3A : memref<!tpu.dma_semaphore, #tpu.memory_space<semaphore_mem>>)
        %dma_wait3A_59 = arith.constant 0 : i32
        %dma_wait3A_60 = arith.constant 0 : i32
        %dma_wait3A_61 = tpu.memref_slice %arg4[%arg1, %scan3A_15, %dma_wait3A_59, %dma_wait3A_60] : memref<16x6x28x120xi32, #tpu.memory_space<hbm>> -> memref<1x1x28x120xi32, #tpu.memory_space<hbm>>
        %dma_wait3A_62 = tpu.memref_squeeze %dma_wait3A_61 : memref<1x1x28x120xi32, #tpu.memory_space<hbm>> -> memref<28x120xi32, #tpu.memory_space<hbm>>
        %dma_wait3A_63 = arith.constant 0 : i32
        %dma_wait3A_64 = arith.constant 0 : i32
        %dma_wait3A_65 = tpu.memref_slice %arg4[%arg1, %scan3A_15, %dma_wait3A_63, %dma_wait3A_64] : memref<16x6x28x120xi32, #tpu.memory_space<hbm>> -> memref<1x1x28x120xi32, #tpu.memory_space<hbm>>
        %dma_wait3A_66 = tpu.memref_squeeze %dma_wait3A_65 : memref<1x1x28x120xi32, #tpu.memory_space<hbm>> -> memref<28x120xi32, #tpu.memory_space<hbm>>
        tpu.wait_dma2 semaphore(%run_scoped3A : memref<!tpu.dma_semaphore, #tpu.memory_space<semaphore_mem>>) src(%dma_wait3A_66 : memref<28x120xi32, #tpu.memory_space<hbm>>) dst(%arg9 : memref<28x120xi32, #tpu.memory_space<vmem>>)
        tpu.yield
      }) : () -> ()
      %dma_start3A = arith.constant 0 : i32
      %dma_start3A_17 = arith.constant 0 : i32
      %dma_start3A_18 = tpu.memref_slice %arg8[%dma_start3A, %dma_start3A_17] : memref<28x120xi32, #tpu.memory_space<vmem>> -> memref<1x120xi32, #tpu.memory_space<vmem>>
      %dma_start3A_19 = tpu.memref_squeeze %dma_start3A_18 : memref<1x120xi32, #tpu.memory_space<vmem>> -> memref<120xi32, #tpu.memory_space<vmem>>
      %dma_start3A_20 = arith.constant 0 : i32
      %dma_start3A_21 = arith.constant 0 : i32
      %dma_start3A_22 = tpu.memref_slice %arg2[%dma_start3A_20, %dma_start3A_21] : memref<20000x128xf32, #tpu.memory_space<hbm>> -> memref<20000x128xf32, #tpu.memory_space<hbm>>
      tpu.enqueue_indirect_dma source(%dma_start3A_22 : memref<20000x128xf32, #tpu.memory_space<hbm>>) target(%arg10 : memref<120x128xf32, #tpu.memory_space<vmem>>) offsets(%dma_start3A_19 : memref<120xi32, #tpu.memory_space<vmem>>) semaphore(%arg13 : memref<!tpu.dma_semaphore, #tpu.memory_space<semaphore_mem>>)
      %dma_start3A_23 = arith.constant 1 : i32
      %dma_start3A_24 = arith.constant 0 : i32
      %dma_start3A_25 = tpu.memref_slice %arg8[%dma_start3A_23, %dma_start3A_24] : memref<28x120xi32, #tpu.memory_space<vmem>> -> memref<1x120xi32, #tpu.memory_space<vmem>>
      %dma_start3A_26 = tpu.memref_squeeze %dma_start3A_25 : memref<1x120xi32, #tpu.memory_space<vmem>> -> memref<120xi32, #tpu.memory_space<vmem>>
      %dma_start3A_27 = arith.constant 0 : i32
      %dma_start3A_28 = arith.constant 0 : i32
      %dma_start3A_29 = tpu.memref_slice %arg2[%dma_start3A_27, %dma_start3A_28] : memref<20000x128xf32, #tpu.memory_space<hbm>> -> memref<20000x128xf32, #tpu.memory_space<hbm>>
      tpu.enqueue_indirect_dma source(%dma_start3A_29 : memref<20000x128xf32, #tpu.memory_space<hbm>>) target(%arg11 : memref<120x128xf32, #tpu.memory_space<vmem>>) offsets(%dma_start3A_26 : memref<120xi32, #tpu.memory_space<vmem>>) semaphore(%arg14 : memref<!tpu.dma_semaphore, #tpu.memory_space<semaphore_mem>>)
      %scan3A_30 = arith.constant 0 : i32
      %scan3A_31 = arith.constant 0 : i32
      %scan3A_32 = arith.constant 14 : i32
      %scan3A_33 = arith.addi %scan3A_31, %scan3A_32 : i32
      %scan3A_34 = arith.constant 1 : i32
      %scan3A_35 = scf.for %scan3A_51 = %scan3A_31 to %scan3A_33 step %scan3A_34 iter_args(%scan3A_52 = %scan3A_30) -> (i32)  : i32 {
        %mul3A_53 = arith.constant 2 : i32
        %mul3A_54 = arith.muli %mul3A_53, %scan3A_51 : i32
        %add3A = arith.constant 1 : i32
        %add3A_55 = arith.addi %mul3A_54, %add3A : i32
        %dma_wait3A_56 = arith.constant 0 : i32
        %dma_wait3A_57 = tpu.memref_slice %arg8[%mul3A_54, %dma_wait3A_56] : memref<28x120xi32, #tpu.memory_space<vmem>> -> memref<1x120xi32, #tpu.memory_space<vmem>>
        %dma_wait3A_58 = tpu.memref_squeeze %dma_wait3A_57 : memref<1x120xi32, #tpu.memory_space<vmem>> -> memref<120xi32, #tpu.memory_space<vmem>>
        %dma_wait3A_59 = arith.constant 0 : i32
        %dma_wait3A_60 = arith.constant 0 : i32
        %dma_wait3A_61 = tpu.memref_slice %arg2[%dma_wait3A_59, %dma_wait3A_60] : memref<20000x128xf32, #tpu.memory_space<hbm>> -> memref<20000x128xf32, #tpu.memory_space<hbm>>
        tpu.wait_indirect_dma semaphore(%arg13 : memref<!tpu.dma_semaphore, #tpu.memory_space<semaphore_mem>>) src(%dma_wait3A_61 : memref<20000x128xf32, #tpu.memory_space<hbm>>) dst(%arg10 : memref<120x128xf32, #tpu.memory_space<vmem>>)
        "tpu.region"() ({
          %run_scoped3A = tpu.sem_alloc : memref<!tpu.dma_semaphore, #tpu.memory_space<semaphore_mem>>
          %dma_start3A_88 = arith.constant 0 : i32
          %dma_start3A_89 = tpu.memref_slice %arg9[%mul3A_54, %dma_start3A_88] : memref<28x120xi32, #tpu.memory_space<vmem>> -> memref<1x120xi32, #tpu.memory_space<vmem>>
          %dma_start3A_90 = tpu.memref_squeeze %dma_start3A_89 : memref<1x120xi32, #tpu.memory_space<vmem>> -> memref<120xi32, #tpu.memory_space<vmem>>
          %dma_start3A_91 = arith.constant 0 : i32
          %dma_start3A_92 = arith.constant 0 : i32
          %dma_start3A_93 = tpu.memref_slice %arg12[%dma_start3A_91, %dma_start3A_92] : memref<10112x128xf32, #tpu.memory_space<vmem_shared>> -> memref<10112x128xf32, #tpu.memory_space<vmem_shared>>
          tpu.enqueue_indirect_dma source(%arg10 : memref<120x128xf32, #tpu.memory_space<vmem>>) target(%dma_start3A_93 : memref<10112x128xf32, #tpu.memory_space<vmem_shared>>) offsets(%dma_start3A_90 : memref<120xi32, #tpu.memory_space<vmem>>) semaphore(%run_scoped3A : memref<!tpu.dma_semaphore, #tpu.memory_space<semaphore_mem>>) {add = true}
          %dma_wait3A_94 = arith.constant 0 : i32
          %dma_wait3A_95 = tpu.memref_slice %arg9[%mul3A_54, %dma_wait3A_94] : memref<28x120xi32, #tpu.memory_space<vmem>> -> memref<1x120xi32, #tpu.memory_space<vmem>>
          %dma_wait3A_96 = tpu.memref_squeeze %dma_wait3A_95 : memref<1x120xi32, #tpu.memory_space<vmem>> -> memref<120xi32, #tpu.memory_space<vmem>>
          %dma_wait3A_97 = arith.constant 0 : i32
          %dma_wait3A_98 = arith.constant 0 : i32
          %dma_wait3A_99 = tpu.memref_slice %arg12[%dma_wait3A_97, %dma_wait3A_98] : memref<10112x128xf32, #tpu.memory_space<vmem_shared>> -> memref<10112x128xf32, #tpu.memory_space<vmem_shared>>
          tpu.wait_indirect_dma semaphore(%run_scoped3A : memref<!tpu.dma_semaphore, #tpu.memory_space<semaphore_mem>>) src(%arg10 : memref<120x128xf32, #tpu.memory_space<vmem>>) dst(%dma_wait3A_99 : memref<10112x128xf32, #tpu.memory_space<vmem_shared>>)
          tpu.yield
        }) : () -> ()
        %add3A_62 = arith.constant 2 : i32
        %add3A_63 = arith.addi %mul3A_54, %add3A_62 : i32
        %min3A = arith.constant 27 : i32
        %min3A_64 = arith.minsi %add3A_63, %min3A : i32
        %dma_start3A_65 = arith.constant 0 : i32
        %dma_start3A_66 = tpu.memref_slice %arg8[%min3A_64, %dma_start3A_65] : memref<28x120xi32, #tpu.memory_space<vmem>> -> memref<1x120xi32, #tpu.memory_space<vmem>>
        %dma_start3A_67 = tpu.memref_squeeze %dma_start3A_66 : memref<1x120xi32, #tpu.memory_space<vmem>> -> memref<120xi32, #tpu.memory_space<vmem>>
        %dma_start3A_68 = arith.constant 0 : i32
        %dma_start3A_69 = arith.constant 0 : i32
        %dma_start3A_70 = tpu.memref_slice %arg2[%dma_start3A_68, %dma_start3A_69] : memref<20000x128xf32, #tpu.memory_space<hbm>> -> memref<20000x128xf32, #tpu.memory_space<hbm>>
        tpu.enqueue_indirect_dma source(%dma_start3A_70 : memref<20000x128xf32, #tpu.memory_space<hbm>>) target(%arg10 : memref<120x128xf32, #tpu.memory_space<vmem>>) offsets(%dma_start3A_67 : memref<120xi32, #tpu.memory_space<vmem>>) semaphore(%arg13 : memref<!tpu.dma_semaphore, #tpu.memory_space<semaphore_mem>>)
        %dma_wait3A_71 = arith.constant 0 : i32
        %dma_wait3A_72 = tpu.memref_slice %arg8[%add3A_55, %dma_wait3A_71] : memref<28x120xi32, #tpu.memory_space<vmem>> -> memref<1x120xi32, #tpu.memory_space<vmem>>
        %dma_wait3A_73 = tpu.memref_squeeze %dma_wait3A_72 : memref<1x120xi32, #tpu.memory_space<vmem>> -> memref<120xi32, #tpu.memory_space<vmem>>
        %dma_wait3A_74 = arith.constant 0 : i32
        %dma_wait3A_75 = arith.constant 0 : i32
        %dma_wait3A_76 = tpu.memref_slice %arg2[%dma_wait3A_74, %dma_wait3A_75] : memref<20000x128xf32, #tpu.memory_space<hbm>> -> memref<20000x128xf32, #tpu.memory_space<hbm>>
        tpu.wait_indirect_dma semaphore(%arg14 : memref<!tpu.dma_semaphore, #tpu.memory_space<semaphore_mem>>) src(%dma_wait3A_76 : memref<20000x128xf32, #tpu.memory_space<hbm>>) dst(%arg11 : memref<120x128xf32, #tpu.memory_space<vmem>>)
        "tpu.region"() ({
          %run_scoped3A = tpu.sem_alloc : memref<!tpu.dma_semaphore, #tpu.memory_space<semaphore_mem>>
          %dma_start3A_88 = arith.constant 0 : i32
          %dma_start3A_89 = tpu.memref_slice %arg9[%add3A_55, %dma_start3A_88] : memref<28x120xi32, #tpu.memory_space<vmem>> -> memref<1x120xi32, #tpu.memory_space<vmem>>
          %dma_start3A_90 = tpu.memref_squeeze %dma_start3A_89 : memref<1x120xi32, #tpu.memory_space<vmem>> -> memref<120xi32, #tpu.memory_space<vmem>>
          %dma_start3A_91 = arith.constant 0 : i32
          %dma_start3A_92 = arith.constant 0 : i32
          %dma_start3A_93 = tpu.memref_slice %arg12[%dma_start3A_91, %dma_start3A_92] : memref<10112x128xf32, #tpu.memory_space<vmem_shared>> -> memref<10112x128xf32, #tpu.memory_space<vmem_shared>>
          tpu.enqueue_indirect_dma source(%arg11 : memref<120x128xf32, #tpu.memory_space<vmem>>) target(%dma_start3A_93 : memref<10112x128xf32, #tpu.memory_space<vmem_shared>>) offsets(%dma_start3A_90 : memref<120xi32, #tpu.memory_space<vmem>>) semaphore(%run_scoped3A : memref<!tpu.dma_semaphore, #tpu.memory_space<semaphore_mem>>) {add = true}
          %dma_wait3A_94 = arith.constant 0 : i32
          %dma_wait3A_95 = tpu.memref_slice %arg9[%add3A_55, %dma_wait3A_94] : memref<28x120xi32, #tpu.memory_space<vmem>> -> memref<1x120xi32, #tpu.memory_space<vmem>>
          %dma_wait3A_96 = tpu.memref_squeeze %dma_wait3A_95 : memref<1x120xi32, #tpu.memory_space<vmem>> -> memref<120xi32, #tpu.memory_space<vmem>>
          %dma_wait3A_97 = arith.constant 0 : i32
          %dma_wait3A_98 = arith.constant 0 : i32
          %dma_wait3A_99 = tpu.memref_slice %arg12[%dma_wait3A_97, %dma_wait3A_98] : memref<10112x128xf32, #tpu.memory_space<vmem_shared>> -> memref<10112x128xf32, #tpu.memory_space<vmem_shared>>
          tpu.wait_indirect_dma semaphore(%run_scoped3A : memref<!tpu.dma_semaphore, #tpu.memory_space<semaphore_mem>>) src(%arg11 : memref<120x128xf32, #tpu.memory_space<vmem>>) dst(%dma_wait3A_99 : memref<10112x128xf32, #tpu.memory_space<vmem_shared>>)
          tpu.yield
        }) : () -> ()
        %add3A_77 = arith.constant 2 : i32
        %add3A_78 = arith.addi %add3A_55, %add3A_77 : i32
        %min3A_79 = arith.constant 27 : i32
        %min3A_80 = arith.minsi %add3A_78, %min3A_79 : i32
        %dma_start3A_81 = arith.constant 0 : i32
        %dma_start3A_82 = tpu.memref_slice %arg8[%min3A_80, %dma_start3A_81] : memref<28x120xi32, #tpu.memory_space<vmem>> -> memref<1x120xi32, #tpu.memory_space<vmem>>
        %dma_start3A_83 = tpu.memref_squeeze %dma_start3A_82 : memref<1x120xi32, #tpu.memory_space<vmem>> -> memref<120xi32, #tpu.memory_space<vmem>>
        %dma_start3A_84 = arith.constant 0 : i32
        %dma_start3A_85 = arith.constant 0 : i32
        %dma_start3A_86 = tpu.memref_slice %arg2[%dma_start3A_84, %dma_start3A_85] : memref<20000x128xf32, #tpu.memory_space<hbm>> -> memref<20000x128xf32, #tpu.memory_space<hbm>>
        tpu.enqueue_indirect_dma source(%dma_start3A_86 : memref<20000x128xf32, #tpu.memory_space<hbm>>) target(%arg11 : memref<120x128xf32, #tpu.memory_space<vmem>>) offsets(%dma_start3A_83 : memref<120xi32, #tpu.memory_space<vmem>>) semaphore(%arg14 : memref<!tpu.dma_semaphore, #tpu.memory_space<semaphore_mem>>)
        %scan3A_87 = arith.constant 0 : i32
        scf.yield %scan3A_87 : i32
      }
      %scan3A_36 = arith.constant 14 : i32
      %dma_wait3A = arith.constant 0 : i32
      %dma_wait3A_37 = arith.constant 0 : i32
      %dma_wait3A_38 = tpu.memref_slice %arg8[%dma_wait3A, %dma_wait3A_37] : memref<28x120xi32, #tpu.memory_space<vmem>> -> memref<1x120xi32, #tpu.memory_space<vmem>>
      %dma_wait3A_39 = tpu.memref_squeeze %dma_wait3A_38 : memref<1x120xi32, #tpu.memory_space<vmem>> -> memref<120xi32, #tpu.memory_space<vmem>>
      %dma_wait3A_40 = arith.constant 0 : i32
      %dma_wait3A_41 = arith.constant 0 : i32
      %dma_wait3A_42 = tpu.memref_slice %arg2[%dma_wait3A_40, %dma_wait3A_41] : memref<20000x128xf32, #tpu.memory_space<hbm>> -> memref<20000x128xf32, #tpu.memory_space<hbm>>
      tpu.wait_indirect_dma semaphore(%arg13 : memref<!tpu.dma_semaphore, #tpu.memory_space<semaphore_mem>>) src(%dma_wait3A_42 : memref<20000x128xf32, #tpu.memory_space<hbm>>) dst(%arg10 : memref<120x128xf32, #tpu.memory_space<vmem>>)
      %dma_wait3A_43 = arith.constant 0 : i32
      %dma_wait3A_44 = arith.constant 0 : i32
      %dma_wait3A_45 = tpu.memref_slice %arg8[%dma_wait3A_43, %dma_wait3A_44] : memref<28x120xi32, #tpu.memory_space<vmem>> -> memref<1x120xi32, #tpu.memory_space<vmem>>
      %dma_wait3A_46 = tpu.memref_squeeze %dma_wait3A_45 : memref<1x120xi32, #tpu.memory_space<vmem>> -> memref<120xi32, #tpu.memory_space<vmem>>
      %dma_wait3A_47 = arith.constant 0 : i32
      %dma_wait3A_48 = arith.constant 0 : i32
      %dma_wait3A_49 = tpu.memref_slice %arg2[%dma_wait3A_47, %dma_wait3A_48] : memref<20000x128xf32, #tpu.memory_space<hbm>> -> memref<20000x128xf32, #tpu.memory_space<hbm>>
      tpu.wait_indirect_dma semaphore(%arg14 : memref<!tpu.dma_semaphore, #tpu.memory_space<semaphore_mem>>) src(%dma_wait3A_49 : memref<20000x128xf32, #tpu.memory_space<hbm>>) dst(%arg11 : memref<120x128xf32, #tpu.memory_space<vmem>>)
      %scan3A_50 = arith.constant 0 : i32
      scf.yield %scan3A_50 : i32
    }
    %scan3A_6 = arith.constant 6 : i32
    %barrier3A_7 = arith.constant 0 : index
    tpu.barrier barrier_id(%barrier3A_7)
    %eq3A = arith.constant 0 : i32
    %eq3A_8 = arith.cmpi eq, %arg0, %eq3A : i32
    %convert_element_type3A = arith.extui %eq3A_8 : i1 to i32
    %cond3A = arith.constant 0 : i32
    %cond3A_9 = arith.cmpi ne, %convert_element_type3A, %cond3A : i32
    scf.if %cond3A_9 {
      %mul3A_15 = arith.constant 632 : i32
      %mul3A_16 = arith.muli %arg1, %mul3A_15 : i32
      %mul3A_17 = arith.constant 632 : i32
      %mul3A_18 = arith.muli %arg1, %mul3A_17 : i32
      "tpu.region"() ({
        %run_scoped3A = tpu.sem_alloc : memref<!tpu.dma_semaphore, #tpu.memory_space<semaphore_mem>>
        %dma_start3A = arith.constant 0 : i32
        %dma_start3A_19 = tpu.memref_slice %arg6[%mul3A_18, %dma_start3A] : memref<10112x128xf32, #tpu.memory_space<hbm>> -> memref<632x128xf32, #tpu.memory_space<hbm>>
        %dma_start3A_20 = arith.constant 0 : i32
        %dma_start3A_21 = tpu.memref_slice %arg12[%mul3A_16, %dma_start3A_20] : memref<10112x128xf32, #tpu.memory_space<vmem_shared>> -> memref<632x128xf32, #tpu.memory_space<vmem_shared>>
        tpu.enqueue_dma source(%dma_start3A_21 : memref<632x128xf32, #tpu.memory_space<vmem_shared>>) target(%dma_start3A_19 : memref<632x128xf32, #tpu.memory_space<hbm>>) target_semaphore(%run_scoped3A : memref<!tpu.dma_semaphore, #tpu.memory_space<semaphore_mem>>)
        %dma_wait3A = arith.constant 0 : i32
        %dma_wait3A_22 = tpu.memref_slice %arg6[%mul3A_18, %dma_wait3A] : memref<10112x128xf32, #tpu.memory_space<hbm>> -> memref<632x128xf32, #tpu.memory_space<hbm>>
        %dma_wait3A_23 = arith.constant 0 : i32
        %dma_wait3A_24 = tpu.memref_slice %arg12[%mul3A_16, %dma_wait3A_23] : memref<10112x128xf32, #tpu.memory_space<vmem_shared>> -> memref<632x128xf32, #tpu.memory_space<vmem_shared>>
        tpu.wait_dma2 semaphore(%run_scoped3A : memref<!tpu.dma_semaphore, #tpu.memory_space<semaphore_mem>>) src(%dma_wait3A_24 : memref<632x128xf32, #tpu.memory_space<vmem_shared>>) dst(%dma_wait3A_22 : memref<632x128xf32, #tpu.memory_space<hbm>>)
        tpu.yield
      }) : () -> ()
    } else {
    }
    %eq3A_10 = arith.constant 1 : i32
    %eq3A_11 = arith.cmpi eq, %arg0, %eq3A_10 : i32
    %convert_element_type3A_12 = arith.extui %eq3A_11 : i1 to i32
    %cond3A_13 = arith.constant 0 : i32
    %cond3A_14 = arith.cmpi ne, %convert_element_type3A_12, %cond3A_13 : i32
    scf.if %cond3A_14 {
      %mul3A_15 = arith.constant 632 : i32
      %mul3A_16 = arith.muli %arg1, %mul3A_15 : i32
      %mul3A_17 = arith.constant 632 : i32
      %mul3A_18 = arith.muli %arg1, %mul3A_17 : i32
      "tpu.region"() ({
        %run_scoped3A = tpu.sem_alloc : memref<!tpu.dma_semaphore, #tpu.memory_space<semaphore_mem>>
        %dma_start3A = arith.constant 0 : i32
        %dma_start3A_19 = tpu.memref_slice %arg7[%mul3A_18, %dma_start3A] : memref<10112x128xf32, #tpu.memory_space<hbm>> -> memref<632x128xf32, #tpu.memory_space<hbm>>
        %dma_start3A_20 = arith.constant 0 : i32
        %dma_start3A_21 = tpu.memref_slice %arg12[%mul3A_16, %dma_start3A_20] : memref<10112x128xf32, #tpu.memory_space<vmem_shared>> -> memref<632x128xf32, #tpu.memory_space<vmem_shared>>
        tpu.enqueue_dma source(%dma_start3A_21 : memref<632x128xf32, #tpu.memory_space<vmem_shared>>) target(%dma_start3A_19 : memref<632x128xf32, #tpu.memory_space<hbm>>) target_semaphore(%run_scoped3A : memref<!tpu.dma_semaphore, #tpu.memory_space<semaphore_mem>>)
        %dma_wait3A = arith.constant 0 : i32
        %dma_wait3A_22 = tpu.memref_slice %arg7[%mul3A_18, %dma_wait3A] : memref<10112x128xf32, #tpu.memory_space<hbm>> -> memref<632x128xf32, #tpu.memory_space<hbm>>
        %dma_wait3A_23 = arith.constant 0 : i32
        %dma_wait3A_24 = tpu.memref_slice %arg12[%mul3A_16, %dma_wait3A_23] : memref<10112x128xf32, #tpu.memory_space<vmem_shared>> -> memref<632x128xf32, #tpu.memory_space<vmem_shared>>
        tpu.wait_dma2 semaphore(%run_scoped3A : memref<!tpu.dma_semaphore, #tpu.memory_space<semaphore_mem>>) src(%dma_wait3A_24 : memref<632x128xf32, #tpu.memory_space<vmem_shared>>) dst(%dma_wait3A_22 : memref<632x128xf32, #tpu.memory_space<hbm>>)
        tpu.yield
      }) : () -> ()
    } else {
    }
    return
  }
}

module attributes {stable_mosaic.version = 14 : i64} {
  func.func @_gin_mlp_body(%arg0: i32, %arg1: memref<1000x128xf32, #tpu.memory_space<vmem>>, %arg2: memref<1000x128xf32, #tpu.memory_space<vmem>>, %arg3: memref<1000x128xf32, #tpu.memory_space<vmem>>, %arg4: memref<128x256xf32, #tpu.memory_space<vmem>>, %arg5: memref<1x256xf32, #tpu.memory_space<vmem>>, %arg6: memref<256x256xf32, #tpu.memory_space<vmem>>, %arg7: memref<1x256xf32, #tpu.memory_space<vmem>>, %arg8: memref<2000x128xf32, #tpu.memory_space<vmem>>) attributes {dimension_semantics = [#tpu.dimension_semantics<arbitrary>], iteration_bounds = array<i64: 10>, scalar_prefetch = 0 : i64, scratch_operands = 0 : i64, tpu.core_type = #tpu.core_type<tc>, window_params = [{transform_indices = @transform_0, window_bounds = array<i64: 1000, 128>}, {transform_indices = @transform_1, window_bounds = array<i64: 1000, 128>}, {transform_indices = @transform_2, window_bounds = array<i64: 1000, 128>}, {pipeline_mode = #tpu.pipeline_mode<synchronous>, transform_indices = @transform_3, window_bounds = array<i64: 128, 256>}, {pipeline_mode = #tpu.pipeline_mode<synchronous>, transform_indices = @transform_4, window_bounds = array<i64: 1, 256>}, {pipeline_mode = #tpu.pipeline_mode<synchronous>, transform_indices = @transform_5, window_bounds = array<i64: 256, 256>}, {pipeline_mode = #tpu.pipeline_mode<synchronous>, transform_indices = @transform_6, window_bounds = array<i64: 1, 256>}, {transform_indices = @transform_7, window_bounds = array<i64: 2000, 128>}]} {
    %get3A = arith.constant 0 : index
    %get3A_0 = arith.constant 0 : index
    %get3A_1 = vector.load %arg1[%get3A, %get3A_0] : memref<1000x128xf32, #tpu.memory_space<vmem>>, vector<1000x128xf32>
    %get3A_2 = arith.constant 0 : index
    %get3A_3 = arith.constant 0 : index
    %get3A_4 = vector.load %arg2[%get3A_2, %get3A_3] : memref<1000x128xf32, #tpu.memory_space<vmem>>, vector<1000x128xf32>
    %add3A = arith.addf %get3A_1, %get3A_4 : vector<1000x128xf32>
    %get3A_5 = arith.constant 0 : index
    %get3A_6 = arith.constant 0 : index
    %get3A_7 = vector.load %arg3[%get3A_5, %get3A_6] : memref<1000x128xf32, #tpu.memory_space<vmem>>, vector<1000x128xf32>
    %add3A_8 = arith.addf %add3A, %get3A_7 : vector<1000x128xf32>
    %get3A_9 = arith.constant 0 : index
    %get3A_10 = arith.constant 0 : index
    %get3A_11 = vector.load %arg4[%get3A_9, %get3A_10] : memref<128x256xf32, #tpu.memory_space<vmem>>, vector<128x256xf32>
    %dot_general3A = arith.constant dense<0.000000e+00> : vector<1000x256xf32>
    %dot_general3A_12 = tpu.matmul %add3A_8, %get3A_11, %dot_general3A {dimension_numbers = #tpu.dot_dimension_numbers<[1], [0], [0], [1], [0, 0, 1, 1], [], []>, transpose_lhs_hint = false} : vector<1000x128xf32>, vector<128x256xf32>, vector<1000x256xf32> -> vector<1000x256xf32>
    %get3A_13 = arith.constant 0 : index
    %get3A_14 = arith.constant 0 : index
    %get3A_15 = vector.load %arg5[%get3A_13, %get3A_14] : memref<1x256xf32, #tpu.memory_space<vmem>>, vector<1x256xf32>
    %add3A_16 = vector.broadcast %get3A_15 : vector<1x256xf32> to vector<1000x256xf32>
    %add3A_17 = arith.addf %dot_general3A_12, %add3A_16 : vector<1000x256xf32>
    %max3A = arith.constant 0.000000e+00 : f32
    %max3A_18 = vector.broadcast %max3A : f32 to vector<1000x256xf32>
    %max3A_19 = arith.maximumf %add3A_17, %max3A_18 : vector<1000x256xf32>
    %get3A_20 = arith.constant 0 : index
    %get3A_21 = arith.constant 0 : index
    %get3A_22 = vector.load %arg6[%get3A_20, %get3A_21] : memref<256x256xf32, #tpu.memory_space<vmem>>, vector<256x256xf32>
    %dot_general3A_23 = arith.constant dense<0.000000e+00> : vector<1000x256xf32>
    %dot_general3A_24 = tpu.matmul %max3A_19, %get3A_22, %dot_general3A_23 {dimension_numbers = #tpu.dot_dimension_numbers<[1], [0], [0], [1], [0, 0, 1, 1], [], []>, transpose_lhs_hint = false} : vector<1000x256xf32>, vector<256x256xf32>, vector<1000x256xf32> -> vector<1000x256xf32>
    %get3A_25 = arith.constant 0 : index
    %get3A_26 = arith.constant 0 : index
    %get3A_27 = vector.load %arg7[%get3A_25, %get3A_26] : memref<1x256xf32, #tpu.memory_space<vmem>>, vector<1x256xf32>
    %add3A_28 = vector.broadcast %get3A_27 : vector<1x256xf32> to vector<1000x256xf32>
    %add3A_29 = arith.addf %dot_general3A_24, %add3A_28 : vector<1000x256xf32>
    %max3A_30 = arith.constant 0.000000e+00 : f32
    %max3A_31 = vector.broadcast %max3A_30 : f32 to vector<1000x256xf32>
    %max3A_32 = arith.maximumf %add3A_29, %max3A_31 : vector<1000x256xf32>
    %reshape3A = vector.shape_cast %max3A_32 : vector<1000x256xf32> to vector<2000x128xf32>
    %swap3A = arith.constant 0 : index
    %swap3A_33 = arith.constant 0 : index
    %swap3A_34 = vector.load %arg8[%swap3A, %swap3A_33] : memref<2000x128xf32, #tpu.memory_space<vmem>>, vector<2000x128xf32>
    tpu.vector_store %arg8[%swap3A, %swap3A_33], %reshape3A {strides = array<i32>} : memref<2000x128xf32, #tpu.memory_space<vmem>>, vector<2000x128xf32>,
    return
  }
  func.func @transform_0(%arg0: i32) -> (i32, i32) {
    %c0_i32 = arith.constant 0 : i32
    %c0_i32_0 = arith.constant 0 : i32
    return %arg0, %c0_i32 : i32, i32
  }
  func.func @transform_1(%arg0: i32) -> (i32, i32) {
    %c0_i32 = arith.constant 0 : i32
    %c0_i32_0 = arith.constant 0 : i32
    return %arg0, %c0_i32 : i32, i32
  }
  func.func @transform_2(%arg0: i32) -> (i32, i32) {
    %c0_i32 = arith.constant 0 : i32
    %c0_i32_0 = arith.constant 0 : i32
    return %arg0, %c0_i32 : i32, i32
  }
  func.func @transform_3(%arg0: i32) -> (i32, i32) {
    %c0_i32 = arith.constant 0 : i32
    %c0_i32_0 = arith.constant 0 : i32
    %c0_i32_1 = arith.constant 0 : i32
    return %c0_i32, %c0_i32_0 : i32, i32
  }
  func.func @transform_4(%arg0: i32) -> (i32, i32) {
    %c0_i32 = arith.constant 0 : i32
    %c0_i32_0 = arith.constant 0 : i32
    %c0_i32_1 = arith.constant 0 : i32
    return %c0_i32, %c0_i32_0 : i32, i32
  }
  func.func @transform_5(%arg0: i32) -> (i32, i32) {
    %c0_i32 = arith.constant 0 : i32
    %c0_i32_0 = arith.constant 0 : i32
    %c0_i32_1 = arith.constant 0 : i32
    return %c0_i32, %c0_i32_0 : i32, i32
  }
  func.func @transform_6(%arg0: i32) -> (i32, i32) {
    %c0_i32 = arith.constant 0 : i32
    %c0_i32_0 = arith.constant 0 : i32
    %c0_i32_1 = arith.constant 0 : i32
    return %c0_i32, %c0_i32_0 : i32, i32
  }
  func.func @transform_7(%arg0: i32) -> (i32, i32) {
    %c0_i32 = arith.constant 0 : i32
    %c0_i32_0 = arith.constant 0 : i32
    return %arg0, %c0_i32 : i32, i32
  }
}

module attributes {stable_mosaic.version = 14 : i64} {
  func.func @_gin_mlp_body(%arg0: i32, %arg1: memref<2000x128xf32, #tpu.memory_space<vmem>>, %arg2: memref<1000x128xf32, #tpu.memory_space<vmem>>, %arg3: memref<1000x128xf32, #tpu.memory_space<vmem>>, %arg4: memref<256x256xf32, #tpu.memory_space<vmem>>, %arg5: memref<1x256xf32, #tpu.memory_space<vmem>>, %arg6: memref<256x256xf32, #tpu.memory_space<vmem>>, %arg7: memref<1x256xf32, #tpu.memory_space<vmem>>, %arg8: memref<2000x128xf32, #tpu.memory_space<vmem>>) attributes {dimension_semantics = [#tpu.dimension_semantics<arbitrary>], iteration_bounds = array<i64: 10>, scalar_prefetch = 0 : i64, scratch_operands = 0 : i64, tpu.core_type = #tpu.core_type<tc>, window_params = [{transform_indices = @transform_0, window_bounds = array<i64: 2000, 128>}, {transform_indices = @transform_1, window_bounds = array<i64: 1000, 128>}, {transform_indices = @transform_2, window_bounds = array<i64: 1000, 128>}, {pipeline_mode = #tpu.pipeline_mode<synchronous>, transform_indices = @transform_3, window_bounds = array<i64: 256, 256>}, {pipeline_mode = #tpu.pipeline_mode<synchronous>, transform_indices = @transform_4, window_bounds = array<i64: 1, 256>}, {pipeline_mode = #tpu.pipeline_mode<synchronous>, transform_indices = @transform_5, window_bounds = array<i64: 256, 256>}, {pipeline_mode = #tpu.pipeline_mode<synchronous>, transform_indices = @transform_6, window_bounds = array<i64: 1, 256>}, {transform_indices = @transform_7, window_bounds = array<i64: 2000, 128>}]} {
    %get3A = arith.constant 0 : index
    %get3A_0 = arith.constant 0 : index
    %get3A_1 = vector.load %arg1[%get3A, %get3A_0] : memref<2000x128xf32, #tpu.memory_space<vmem>>, vector<2000x128xf32>
    %reshape3A = vector.shape_cast %get3A_1 : vector<2000x128xf32> to vector<1000x256xf32>
    %get3A_2 = arith.constant 0 : index
    %get3A_3 = arith.constant 0 : index
    %get3A_4 = vector.load %arg2[%get3A_2, %get3A_3] : memref<1000x128xf32, #tpu.memory_space<vmem>>, vector<1000x128xf32>
    %get3A_5 = arith.constant 0 : index
    %get3A_6 = arith.constant 0 : index
    %get3A_7 = vector.load %arg3[%get3A_5, %get3A_6] : memref<1000x128xf32, #tpu.memory_space<vmem>>, vector<1000x128xf32>
    %concatenate3A = tpu.concatenate %get3A_4, %get3A_7 in 1 : vector<1000x128xf32>, vector<1000x128xf32> -> vector<1000x256xf32>
    %add3A = arith.addf %reshape3A, %concatenate3A : vector<1000x256xf32>
    %get3A_8 = arith.constant 0 : index
    %get3A_9 = arith.constant 0 : index
    %get3A_10 = vector.load %arg4[%get3A_8, %get3A_9] : memref<256x256xf32, #tpu.memory_space<vmem>>, vector<256x256xf32>
    %dot_general3A = arith.constant dense<0.000000e+00> : vector<1000x256xf32>
    %dot_general3A_11 = tpu.matmul %add3A, %get3A_10, %dot_general3A {dimension_numbers = #tpu.dot_dimension_numbers<[1], [0], [0], [1], [0, 0, 1, 1], [], []>, transpose_lhs_hint = false} : vector<1000x256xf32>, vector<256x256xf32>, vector<1000x256xf32> -> vector<1000x256xf32>
    %get3A_12 = arith.constant 0 : index
    %get3A_13 = arith.constant 0 : index
    %get3A_14 = vector.load %arg5[%get3A_12, %get3A_13] : memref<1x256xf32, #tpu.memory_space<vmem>>, vector<1x256xf32>
    %add3A_15 = vector.broadcast %get3A_14 : vector<1x256xf32> to vector<1000x256xf32>
    %add3A_16 = arith.addf %dot_general3A_11, %add3A_15 : vector<1000x256xf32>
    %max3A = arith.constant 0.000000e+00 : f32
    %max3A_17 = vector.broadcast %max3A : f32 to vector<1000x256xf32>
    %max3A_18 = arith.maximumf %add3A_16, %max3A_17 : vector<1000x256xf32>
    %get3A_19 = arith.constant 0 : index
    %get3A_20 = arith.constant 0 : index
    %get3A_21 = vector.load %arg6[%get3A_19, %get3A_20] : memref<256x256xf32, #tpu.memory_space<vmem>>, vector<256x256xf32>
    %dot_general3A_22 = arith.constant dense<0.000000e+00> : vector<1000x256xf32>
    %dot_general3A_23 = tpu.matmul %max3A_18, %get3A_21, %dot_general3A_22 {dimension_numbers = #tpu.dot_dimension_numbers<[1], [0], [0], [1], [0, 0, 1, 1], [], []>, transpose_lhs_hint = false} : vector<1000x256xf32>, vector<256x256xf32>, vector<1000x256xf32> -> vector<1000x256xf32>
    %get3A_24 = arith.constant 0 : index
    %get3A_25 = arith.constant 0 : index
    %get3A_26 = vector.load %arg7[%get3A_24, %get3A_25] : memref<1x256xf32, #tpu.memory_space<vmem>>, vector<1x256xf32>
    %add3A_27 = vector.broadcast %get3A_26 : vector<1x256xf32> to vector<1000x256xf32>
    %add3A_28 = arith.addf %dot_general3A_23, %add3A_27 : vector<1000x256xf32>
    %max3A_29 = arith.constant 0.000000e+00 : f32
    %max3A_30 = vector.broadcast %max3A_29 : f32 to vector<1000x256xf32>
    %max3A_31 = arith.maximumf %add3A_28, %max3A_30 : vector<1000x256xf32>
    %reshape3A_32 = vector.shape_cast %max3A_31 : vector<1000x256xf32> to vector<2000x128xf32>
    %swap3A = arith.constant 0 : index
    %swap3A_33 = arith.constant 0 : index
    %swap3A_34 = vector.load %arg8[%swap3A, %swap3A_33] : memref<2000x128xf32, #tpu.memory_space<vmem>>, vector<2000x128xf32>
    tpu.vector_store %arg8[%swap3A, %swap3A_33], %reshape3A_32 {strides = array<i32>} : memref<2000x128xf32, #tpu.memory_space<vmem>>, vector<2000x128xf32>,
    return
  }
  func.func @transform_0(%arg0: i32) -> (i32, i32) {
    %c0_i32 = arith.constant 0 : i32
    %c0_i32_0 = arith.constant 0 : i32
    return %arg0, %c0_i32 : i32, i32
  }
  func.func @transform_1(%arg0: i32) -> (i32, i32) {
    %c0_i32 = arith.constant 0 : i32
    %c0_i32_0 = arith.constant 0 : i32
    return %arg0, %c0_i32 : i32, i32
  }
  func.func @transform_2(%arg0: i32) -> (i32, i32) {
    %c0_i32 = arith.constant 0 : i32
    %c0_i32_0 = arith.constant 0 : i32
    return %arg0, %c0_i32 : i32, i32
  }
  func.func @transform_3(%arg0: i32) -> (i32, i32) {
    %c0_i32 = arith.constant 0 : i32
    %c0_i32_0 = arith.constant 0 : i32
    %c0_i32_1 = arith.constant 0 : i32
    return %c0_i32, %c0_i32_0 : i32, i32
  }
  func.func @transform_4(%arg0: i32) -> (i32, i32) {
    %c0_i32 = arith.constant 0 : i32
    %c0_i32_0 = arith.constant 0 : i32
    %c0_i32_1 = arith.constant 0 : i32
    return %c0_i32, %c0_i32_0 : i32, i32
  }
  func.func @transform_5(%arg0: i32) -> (i32, i32) {
    %c0_i32 = arith.constant 0 : i32
    %c0_i32_0 = arith.constant 0 : i32
    %c0_i32_1 = arith.constant 0 : i32
    return %c0_i32, %c0_i32_0 : i32, i32
  }
  func.func @transform_6(%arg0: i32) -> (i32, i32) {
    %c0_i32 = arith.constant 0 : i32
    %c0_i32_0 = arith.constant 0 : i32
    %c0_i32_1 = arith.constant 0 : i32
    return %c0_i32, %c0_i32_0 : i32, i32
  }
  func.func @transform_7(%arg0: i32) -> (i32, i32) {
    %c0_i32 = arith.constant 0 : i32
    %c0_i32_0 = arith.constant 0 : i32
    return %arg0, %c0_i32 : i32, i32
  }
}

module attributes {stable_mosaic.version = 14 : i64} {
  func.func @_pool_mlp_body(%arg0: i32, %arg1: memref<2000x128xf32, #tpu.memory_space<vmem>>, %arg2: memref<1x1x1000xi32, #tpu.memory_space<vmem>>, %arg3: memref<256x256xf32, #tpu.memory_space<vmem>>, %arg4: memref<1x256xf32, #tpu.memory_space<vmem>>, %arg5: memref<256x128xf32, #tpu.memory_space<vmem>>, %arg6: memref<1x128xf32, #tpu.memory_space<vmem>>, %arg7: memref<64x256xf32, #tpu.memory_space<vmem>>, %arg8: memref<64x128xf32, #tpu.memory_space<vmem>>) attributes {dimension_semantics = [#tpu.dimension_semantics<arbitrary>], iteration_bounds = array<i64: 10>, scalar_prefetch = 0 : i64, scratch_operands = 0 : i64, tpu.core_type = #tpu.core_type<tc>, window_params = [{transform_indices = @transform_0, window_bounds = array<i64: 2000, 128>}, {transform_indices = @transform_1, window_bounds = array<i64: 1, 1, 1000>}, {pipeline_mode = #tpu.pipeline_mode<synchronous>, transform_indices = @transform_2, window_bounds = array<i64: 256, 256>}, {pipeline_mode = #tpu.pipeline_mode<synchronous>, transform_indices = @transform_3, window_bounds = array<i64: 1, 256>}, {pipeline_mode = #tpu.pipeline_mode<synchronous>, transform_indices = @transform_4, window_bounds = array<i64: 256, 128>}, {pipeline_mode = #tpu.pipeline_mode<synchronous>, transform_indices = @transform_5, window_bounds = array<i64: 1, 128>}, {pipeline_mode = #tpu.pipeline_mode<synchronous>, transform_indices = @transform_6, window_bounds = array<i64: 64, 256>}, {pipeline_mode = #tpu.pipeline_mode<synchronous>, transform_indices = @transform_7, window_bounds = array<i64: 64, 128>}]} {
    %get3A = arith.constant 0 : index
    %get3A_0 = arith.constant 0 : index
    %get3A_1 = arith.constant 0 : index
    %get3A_2 = vector.load %arg2[%get3A, %get3A_0, %get3A_1] : memref<1x1x1000xi32, #tpu.memory_space<vmem>>, vector<1x1x1000xi32>
    %get3A_3 = vector.shape_cast %get3A_2 : vector<1x1x1000xi32> to vector<1000xi32>
    %get3A_4 = arith.constant 0 : index
    %get3A_5 = arith.constant 0 : index
    %get3A_6 = vector.load %arg1[%get3A_4, %get3A_5] : memref<2000x128xf32, #tpu.memory_space<vmem>>, vector<2000x128xf32>
    %reshape3A = vector.shape_cast %get3A_6 : vector<2000x128xf32> to vector<1000x256xf32>
    %iota3A = tpu.iota {dimensions = array<i32: 0>} : vector<64x1000xi32>
    %broadcast_in_dim3A = vector.shape_cast %get3A_3 : vector<1000xi32> to vector<1x1000xi32>
    %eq3A = vector.broadcast %broadcast_in_dim3A : vector<1x1000xi32> to vector<64x1000xi32>
    %eq3A_7 = arith.cmpi eq, %iota3A, %eq3A : vector<64x1000xi32>
    %convert_element_type3A = arith.extui %eq3A_7 : vector<64x1000xi1> to vector<64x1000xi32>
    %convert_element_type3A_8 = arith.sitofp %convert_element_type3A : vector<64x1000xi32> to vector<64x1000xf32>
    %dot_general3A = arith.constant dense<0.000000e+00> : vector<64x256xf32>
    %dot_general3A_9 = tpu.matmul %convert_element_type3A_8, %reshape3A, %dot_general3A {dimension_numbers = #tpu.dot_dimension_numbers<[1], [0], [0], [1], [0, 0, 1, 1], [], []>, transpose_lhs_hint = false} : vector<64x1000xf32>, vector<1000x256xf32>, vector<64x256xf32> -> vector<64x256xf32>
    %eq3A_10 = arith.constant 0 : i32
    %eq3A_11 = arith.cmpi eq, %arg0, %eq3A_10 : i32
    %convert_element_type3A_12 = arith.extui %eq3A_11 : i1 to i32
    %cond3A = arith.constant 0 : i32
    %cond3A_13 = arith.cmpi ne, %convert_element_type3A_12, %cond3A : i32
    scf.if %cond3A_13 {
      %broadcast_in_dim3A_24 = arith.constant 0.000000e+00 : f32
      %broadcast_in_dim3A_25 = vector.broadcast %broadcast_in_dim3A_24 : f32 to vector<64x256xf32>
      %swap3A_26 = arith.constant 0 : index
      %swap3A_27 = arith.constant 0 : index
      %swap3A_28 = vector.load %arg7[%swap3A_26, %swap3A_27] : memref<64x256xf32, #tpu.memory_space<vmem>>, vector<64x256xf32>
      tpu.vector_store %arg7[%swap3A_26, %swap3A_27], %broadcast_in_dim3A_25 {strides = array<i32>} : memref<64x256xf32, #tpu.memory_space<vmem>>, vector<64x256xf32>,
    } else {
    }
    %get3A_14 = arith.constant 0 : index
    %get3A_15 = arith.constant 0 : index
    %get3A_16 = vector.load %arg7[%get3A_14, %get3A_15] : memref<64x256xf32, #tpu.memory_space<vmem>>, vector<64x256xf32>
    %add3A = arith.addf %get3A_16, %dot_general3A_9 : vector<64x256xf32>
    %swap3A = arith.constant 0 : index
    %swap3A_17 = arith.constant 0 : index
    %swap3A_18 = vector.load %arg7[%swap3A, %swap3A_17] : memref<64x256xf32, #tpu.memory_space<vmem>>, vector<64x256xf32>
    tpu.vector_store %arg7[%swap3A, %swap3A_17], %add3A {strides = array<i32>} : memref<64x256xf32, #tpu.memory_space<vmem>>, vector<64x256xf32>,
    %eq3A_19 = arith.constant 9 : i32
    %eq3A_20 = arith.cmpi eq, %arg0, %eq3A_19 : i32
    %convert_element_type3A_21 = arith.extui %eq3A_20 : i1 to i32
    %cond3A_22 = arith.constant 0 : i32
    %cond3A_23 = arith.cmpi ne, %convert_element_type3A_21, %cond3A_22 : i32
    scf.if %cond3A_23 {
      %get3A_24 = arith.constant 0 : index
      %get3A_25 = arith.constant 0 : index
      %get3A_26 = vector.load %arg7[%get3A_24, %get3A_25] : memref<64x256xf32, #tpu.memory_space<vmem>>, vector<64x256xf32>
      %get3A_27 = arith.constant 0 : index
      %get3A_28 = arith.constant 0 : index
      %get3A_29 = vector.load %arg3[%get3A_27, %get3A_28] : memref<256x256xf32, #tpu.memory_space<vmem>>, vector<256x256xf32>
      %dot_general3A_30 = arith.constant dense<0.000000e+00> : vector<64x256xf32>
      %dot_general3A_31 = tpu.matmul %get3A_26, %get3A_29, %dot_general3A_30 {dimension_numbers = #tpu.dot_dimension_numbers<[1], [0], [0], [1], [0, 0, 1, 1], [], []>, transpose_lhs_hint = false} : vector<64x256xf32>, vector<256x256xf32>, vector<64x256xf32> -> vector<64x256xf32>
      %get3A_32 = arith.constant 0 : index
      %get3A_33 = arith.constant 0 : index
      %get3A_34 = vector.load %arg4[%get3A_32, %get3A_33] : memref<1x256xf32, #tpu.memory_space<vmem>>, vector<1x256xf32>
      %add3A_35 = vector.broadcast %get3A_34 : vector<1x256xf32> to vector<64x256xf32>
      %add3A_36 = arith.addf %dot_general3A_31, %add3A_35 : vector<64x256xf32>
      %max3A = arith.constant 0.000000e+00 : f32
      %max3A_37 = vector.broadcast %max3A : f32 to vector<64x256xf32>
      %max3A_38 = arith.maximumf %add3A_36, %max3A_37 : vector<64x256xf32>
      %get3A_39 = arith.constant 0 : index
      %get3A_40 = arith.constant 0 : index
      %get3A_41 = vector.load %arg5[%get3A_39, %get3A_40] : memref<256x128xf32, #tpu.memory_space<vmem>>, vector<256x128xf32>
      %dot_general3A_42 = arith.constant dense<0.000000e+00> : vector<64x128xf32>
      %dot_general3A_43 = tpu.matmul %max3A_38, %get3A_41, %dot_general3A_42 {dimension_numbers = #tpu.dot_dimension_numbers<[1], [0], [0], [1], [0, 0, 1, 1], [], []>, transpose_lhs_hint = false} : vector<64x256xf32>, vector<256x128xf32>, vector<64x128xf32> -> vector<64x128xf32>
      %get3A_44 = arith.constant 0 : index
      %get3A_45 = arith.constant 0 : index
      %get3A_46 = vector.load %arg6[%get3A_44, %get3A_45] : memref<1x128xf32, #tpu.memory_space<vmem>>, vector<1x128xf32>
      %add3A_47 = vector.broadcast %get3A_46 : vector<1x128xf32> to vector<64x128xf32>
      %add3A_48 = arith.addf %dot_general3A_43, %add3A_47 : vector<64x128xf32>
      %swap3A_49 = arith.constant 0 : index
      %swap3A_50 = arith.constant 0 : index
      %swap3A_51 = vector.load %arg8[%swap3A_49, %swap3A_50] : memref<64x128xf32, #tpu.memory_space<vmem>>, vector<64x128xf32>
      tpu.vector_store %arg8[%swap3A_49, %swap3A_50], %add3A_48 {strides = array<i32>} : memref<64x128xf32, #tpu.memory_space<vmem>>, vector<64x128xf32>,
    } else {
    }
    return
  }
  func.func @transform_0(%arg0: i32) -> (i32, i32) {
    %c0_i32 = arith.constant 0 : i32
    %c0_i32_0 = arith.constant 0 : i32
    return %arg0, %c0_i32 : i32, i32
  }
  func.func @transform_1(%arg0: i32) -> (i32, i32, i32) {
    %c0_i32 = arith.constant 0 : i32
    %c0_i32_0 = arith.constant 0 : i32
    %c0_i32_1 = arith.constant 0 : i32
    return %arg0, %c0_i32, %c0_i32_0 : i32, i32, i32
  }
  func.func @transform_2(%arg0: i32) -> (i32, i32) {
    %c0_i32 = arith.constant 0 : i32
    %c0_i32_0 = arith.constant 0 : i32
    %c0_i32_1 = arith.constant 0 : i32
    return %c0_i32, %c0_i32_0 : i32, i32
  }
  func.func @transform_3(%arg0: i32) -> (i32, i32) {
    %c0_i32 = arith.constant 0 : i32
    %c0_i32_0 = arith.constant 0 : i32
    %c0_i32_1 = arith.constant 0 : i32
    return %c0_i32, %c0_i32_0 : i32, i32
  }
  func.func @transform_4(%arg0: i32) -> (i32, i32) {
    %c0_i32 = arith.constant 0 : i32
    %c0_i32_0 = arith.constant 0 : i32
    %c0_i32_1 = arith.constant 0 : i32
    return %c0_i32, %c0_i32_0 : i32, i32
  }
  func.func @transform_5(%arg0: i32) -> (i32, i32) {
    %c0_i32 = arith.constant 0 : i32
    %c0_i32_0 = arith.constant 0 : i32
    %c0_i32_1 = arith.constant 0 : i32
    return %c0_i32, %c0_i32_0 : i32, i32
  }
  func.func @transform_6(%arg0: i32) -> (i32, i32) {
    %c0_i32 = arith.constant 0 : i32
    %c0_i32_0 = arith.constant 0 : i32
    %c0_i32_1 = arith.constant 0 : i32
    return %c0_i32, %c0_i32_0 : i32, i32
  }
  func.func @transform_7(%arg0: i32) -> (i32, i32) {
    %c0_i32 = arith.constant 0 : i32
    %c0_i32_0 = arith.constant 0 : i32
    %c0_i32_1 = arith.constant 0 : i32
    return %c0_i32, %c0_i32_0 : i32, i32
  }
}

</mosaic_0001>

<sc_bundles>
// kernel: kernel.12.cloned.1.call-start
scs
__scs_entry_jumppad:
0x0: {  	(pc) =	sbr.rel $0x88, $3  }
0x1: {  	(tag) =	ssettag $0x0;
	lr =	simm.s32 $0x1  }
0x2: {  	[smem:$0x3F82] =	sst lr;
	_ =	strace $0xD0000000  }
0x3: {  	_ = 	snop  }
0x4: {  	_ = 	snop  }
0x5: {  	_ = 	snop  }
0x6: {  	_ = 	snop  }
0x7: {  	_ = 	snop  }
__scs_overlays_trampoline_lowered:
0x8: {  	[smem:$0x3F91] =	sst s0  }
0x9: {  	[smem:$0x3F92] =	sst s1  }
0xa: {  	[smem:$0x3F93] =	sst s2  }
0xb: {  	[smem:$0x3F94] =	sst s3  }
0xc: {  	[smem:$0x3F95] =	sst s4  }
0xd: {  	[smem:$0x3F96] =	sst s5  }
0xe: {  	[smem:$0x3F97] =	sst s6  }
0xf: {  	[smem:$0x3F98] =	sst s7  }
0x10: {  	[smem:$0x3F99] =	sst s8  }
0x11: {  	[smem:$0x3F9A] =	sst s9;
	s0 =	simm.s32 @!p0 $0x0  }
0x12: {  	s1 =	sld [smem:$0x3F80];
	s0 =	simm.s32 @p0 $0x1  }
0x13: {  	[smem:$0x3F9B] =	sst s0;
	s0 =	simm.s32 @!p1 $0x0  }
0x14: {  	s2 =	sld [smem:$0x3F7F];
	s0 =	simm.s32 @p1 $0x1  }
0x15: {  	[smem:$0x3F9C] =	sst s0;
	s0 =	simm.s32 @!p2 $0x0  }
0x16: {  	s3 =	sld [smem:$0x3FDB];
	s0 =	simm.s32 @p2 $0x1  }
0x17: {  	s4 =	simm.s32 $0x1BF5;
	[smem:$0x3F9E] =	sst s0  }
0x18: {  	s0 =	sld [smem:$0x3F81];
	_ =	swait.ge [sflag:s4], $0x0  }
0x19: {  	s7 =	sld [smem:$0x3F82]  }
0x1a: {  	s8 =	sadd.s32 $0xFFFFE003, lr  }
0x1b: {  	s9 =	sadd.s32 $0xFFFFFEF7, lr;
	s5 =	simm.s32 $0xFFFFFFFF;
	p2 =	slt.u32 s8, $0xFFFFF086  }
0x1c: {  	p1 =	slt.u32 s9, $0xF7A;
	s5 =	simm.s32 @!p2 $0x0  }
0x1d: {  	s5 =	simm.s32 @p1 $0x1;
	p0 =	seq.s32 s7, s2  }
0x1e: {  	s7 =	smul.u32 @!p0 $0xF7A, s2;
	p2 =	seq.s32 @!p0 s5, $0x0  }
0x1f: {  	s9 =	smul.u32 $0xF7A, s1;
	s8 =	simm.s32 @!p0 $0x1BF5;
	p2 =	por !p2, p0  }
0x20: {  	[sflag:s8] =	ssyncset.s32 @!p0 $0xFFFFF086;
	s6 =	sadd.s32 @!p0 s3, s7;
	s7 =	simm.s32 @!p0 $0x108  }
0x21: {  	s3 =	sadd.s32 s3, s9;
	s6 =	sadd.s32 @!p0 $0x88, s6;
	s7 =	simm.s32 @p2 $0x1082  }
0x22: {  	[simem:s7], [sflag:s8] =	dma.local @!p0 [hbm:s6], $0xF7A  }
0x23: {  	s9 =	sor.u32 $0xD0000000, s2;
	s6 =	simm.s32 $0x108;
	_ =	swait.ge @!p0 [sflag:s8], $0x0  }
0x24: {  	s3 =	sadd.s32 $0x88, s3;
	s6 =	simm.s32 @!p1 $0x1082;
	[sflag:s4] =	ssyncset.s32 $0xFFFFF086  }
0x25: {  	[simem:s6], [sflag:s4] =	dma.local [hbm:s3], $0xF7A  }
0x26: {  	[smem:$0x3F82] =	sst s1;
	(tag) =	ssettag s2;
	_ =	strace s9  }
0x27: {  	s1 =	sld [smem:$0x3F92]  }
0x28: {  	s2 =	sld [smem:$0x3F93]  }
0x29: {  	s4 =	sld [smem:$0x3F95]  }
0x2a: {  	p0 =	seq.s32 s5, $0x0;
	s5 =	sld [smem:$0x3F96]  }
0x2b: {  	s6 =	sld [smem:$0x3F97]  }
0x2c: {  	s7 =	sld [smem:$0x3F98]  }
0x2d: {  	s3 =	simm.s32 $0x108;
	s8 =	sld [smem:$0x3F99]  }
0x2e: {  	s3 =	simm.s32 @!p0 $0x1082;
	s9 =	sld [smem:$0x3F9A]  }
0x2f: {  	lr =	sadd.s32 s0, s3;
	s0 =	sld [smem:$0x3F91]  }
0x30: {  	s3 =	sld [smem:$0x3F94]  }
0x31: {  	[smem:$0x3F9D] =	sst s10  }
0x32: {  	s10 =	sld [smem:$0x3F9B];
	_ =	sdelay $0x3  }
0x33: {  	p0 =	seq.s32 s10, $0x1;
	s10 =	sld [smem:$0x3F9D];
	_ =	sdelay $0x3  }
0x34: {  	[smem:$0x3F9D] =	sst s10  }
0x35: {  	s10 =	sld [smem:$0x3F9C];
	_ =	sdelay $0x3  }
0x36: {  	p1 =	seq.s32 s10, $0x1;
	s10 =	sld [smem:$0x3F9D];
	_ =	sdelay $0x3  }
0x37: {  	[smem:$0x3F9D] =	sst s10  }
0x38: {  	s10 =	sld [smem:$0x3F9E]  }
0x39: {  	_ = 	snop;
	(pc) =	sbr.ind lr, $3  }
0x3a: {  	_ = 	snop  }
0x3b: {  	_ = 	snop  }
0x3c: {  	p2 =	seq.s32 s10, $0x1;
	s10 =	sld [smem:$0x3F9D]  }
0x3d: {  	_ =	shalt  }
0x3e: {  	_ =	shalt  }
0x3f: {  	_ =	shalt  }
0x40: {  	_ =	shalt  }
0x41: {  	_ =	shalt  }
0x42: {  	_ =	shalt  }
0x43: {  	_ =	shalt  }
0x44: {  	_ =	shalt  }
0x45: {  	_ =	shalt  }
0x46: {  	_ =	shalt  }
0x47: {  	_ =	shalt  }
0x48: {  	_ =	shalt  }
0x49: {  	_ =	shalt  }
0x4a: {  	_ =	shalt  }
0x4b: {  	_ =	shalt  }
0x4c: {  	_ =	shalt  }
0x4d: {  	_ =	shalt  }
0x4e: {  	_ =	shalt  }
0x4f: {  	_ =	shalt  }
0x50: {  	_ =	shalt  }
0x51: {  	_ =	shalt  }
0x52: {  	_ =	shalt  }
0x53: {  	_ =	shalt  }
0x54: {  	_ =	shalt  }
0x55: {  	_ =	shalt  }
0x56: {  	_ =	shalt  }
0x57: {  	_ =	shalt  }
0x58: {  	_ =	shalt  }
0x59: {  	_ =	shalt  }
0x5a: {  	_ =	shalt  }
0x5b: {  	_ =	shalt  }
0x5c: {  	_ =	shalt  }
0x5d: {  	_ =	shalt  }
0x5e: {  	_ =	shalt  }
0x5f: {  	_ =	shalt  }
0x60: {  	_ =	shalt  }
0x61: {  	_ =	shalt  }
0x62: {  	_ =	shalt  }
0x63: {  	_ =	shalt  }
0x64: {  	_ =	shalt  }
0x65: {  	_ =	shalt  }
0x66: {  	_ =	shalt  }
0x67: {  	_ =	shalt  }
0x68: {  	_ =	shalt  }
0x69: {  	_ =	shalt  }
0x6a: {  	_ =	shalt  }
0x6b: {  	_ =	shalt  }
0x6c: {  	_ =	shalt  }
0x6d: {  	_ =	shalt  }
0x6e: {  	_ =	shalt  }
0x6f: {  	_ =	shalt  }
0x70: {  	_ =	shalt  }
0x71: {  	_ =	shalt  }
0x72: {  	_ =	shalt  }
0x73: {  	_ =	shalt  }
0x74: {  	_ =	shalt  }
0x75: {  	_ =	shalt  }
0x76: {  	_ =	shalt  }
0x77: {  	_ =	shalt  }
0x78: {  	_ =	shalt  }
0x79: {  	_ =	shalt  }
0x7a: {  	_ =	shalt  }
0x7b: {  	_ =	shalt  }
0x7c: {  	_ =	shalt  }
0x7d: {  	_ =	shalt  }
0x7e: {  	_ =	shalt  }
0x7f: {  	_ =	shalt  }
0x80: {  	_ =	shalt  }
0x81: {  	_ =	shalt  }
0x82: {  	_ =	shalt  }
0x83: {  	_ =	shalt  }
0x84: {  	_ =	shalt  }
0x85: {  	_ =	shalt  }
0x86: {  	_ =	shalt  }
0x87: {  	_ =	shalt  }
.Lfunc_end0:
.L_simem_size_0:
called_computation.1_lowered:
.L_overlay_start_0:
0x88: {  	s2 =	sld [smem:$0x3FD9]  }
0x89: {  	s3 =	sld [smem:$0x3FFE];
	_ =	sdelay $0x1  }
0x8a: {  	s1 =	srdreg.scid  }
0x8b: {  	s0 =	sand.u32 $0x1, s1  }
0x8c: {  	s16 =	sshll.u32 s0, $0xA;
	s2 =	sadd.s32 s3, s2  }
0x8d: {  	s2 =	sadd.s32 s2, s16  }
0x8e: {  	[smem:$0x3FA9] =	sst s2  }
0x8f: {  	_ = 	snop  }
0x90: {  	(tm) =	ssettm $0x1  }
0x91: {  	s17 =	sld [smem:$0x3FFB];
	_ =	sdelay $0x3  }
0x92: {  	_ =	strace s17  }
0x93: {  	s2 =	sld [smem:$0x3FFC];
	_ =	sdelay $0x3  }
0x94: {  	_ =	strace s2  }
0x95: {  	s2 =	sld [smem:$0x3FFD];
	_ =	sdelay $0x3  }
0x96: {  	_ =	strace s2  }
0x97: {  	_ =	strace $0x8FFFFFFF  }
0x98: {  	s18 =	sld [smem:$0x3FDB];
	_ =	sdelay $0x1  }
0x99: {  	s19 =	simm.s32 $_scs_section_size  }
0x9a: {  	s4 =	simm.s32 $_size__tile_overlayer_lowered;
	s5 =	simm.s32 $_tile_overlayer_lowered  }
0x9b: {  	s22 =	simm.s32 $0x1BFF;
	s21 =	sshll.u32 s5, $0x1;
	s2 =	sadd.s32 s19, s18  }
0x9c: {  	s6 =	simm.s32 $0x0;
	s20 =	sshll.u32 s4, $0x1;
	s4 =	sadd.s32 s21, s2  }
0x9d: {  	[timem:s6], [sflag:s22] =	dma.local [hbm:s4], s20  }
0x9e: {  	_ =	swait.ge [sflag:s22], s20  }
0x9f: {  	s3 =	ssub.s32 $0x0, s20;
	[sflag:s22] =	ssyncset.done $0x0  }
0xa0: {  	[sflag:s22] =	ssyncadd.s32 s3;
	_ =	sdelay $0x1  }
0xa1: {  	s23 =	simm.s32 $0x1B8B  }
0xa2: {  	_ =	swait.ge [sflag:s23], $0x1  }
0xa3: {  	[sflag:s23] =	ssyncset.done $0x0  }
0xa4: {  	s25 =	simm.s32 $0x1B8E;
	s24 =	sld [smem:$0x3FFE];
	[sflag:s23] =	ssyncadd.s32 $0xFFFFFFFF  }
0xa5: {  	s26 =	simm.s32 $execute0_lowered;
	[smem:$0x3FD2] =	sst s25  }
0xa6: {  	s4 =	sshll.u32 s26, $0x1;
	_ =	strace $0x80000049;
	[dreg:$0x1] =	wrdreg $0xFFFFFFFF  }
0xa7: {  	s28 =	simm.s32 $_size_execute0_lowered;
	s2 =	sadd.s32 s2, s4;
	[dreg:$0x0] =	wrdreg $0x0  }
0xa8: {  	s4 =	sshll.u32 s28, $0x1;
	[dreg:$0x2] =	wrdreg s2  }
0xa9: {  	[dreg:$0x3] =	wrdreg s4  }
0xaa: {  	[dreg:$0x4] =	wrdreg $0xC0  }
0xab: {  	_ =	task [dreg:s6], $0x5FFFF  }
0xac: {  	[dreg:$0x1] =	wrdreg $0xFFFFFFFF  }
0xad: {  	[dreg:$0x0] =	wrdreg $0x60  }
0xae: {  	[dreg:$0x2] =	wrdreg s24  }
0xaf: {  	[dreg:$0x3] =	wrdreg $0x98000  }
0xb0: {  	[dreg:$0x4] =	wrdreg $0x9  }
0xb1: {  	_ =	task.clear_ibuf [dreg:s6], $0x5FFFF;
	_ =	strace $0x90000049  }
0xb2: {  	s29 =	simm.s32 $0x9;
	_ =	strace $0x8000004B  }
0xb3: {  	_ =	swait.ge [sflag:s29], $0x1  }
0xb4: {  	[sflag:s29] =	ssyncadd.s32 $0xFFFFFFFF  }
0xb5: {  	_ =	strace $0x9000004B  }
0xb6: {  	_ =	sfence  }
0xb7: {  	s30 =	sld [smem:$0x0];
	_ =	sdelay $0x2  }
0xb8: {  	s31 =	sshll.u32 s1, $0xD;
	s1 =	sshrl.u32 s1, $0x2  }
0xb9: {  	s3 =	sand.u32 $0x4000, s31;
	s1 =	sadd.s32 s1, s30  }
0xba: {  	s0 =	sor.u32 s3, s0;
	s1 =	sshll.u32 s1, $0x11  }
0xbb: {  	s0 =	sor.u32 s1, s0  }
0xbc: {  	s0 =	sadd.s32 $0x8F2B, s0  }
0xbd: {  	[sflag:s0] =	ssyncadd.remote.s32 $0x1  }
0xbe: {  	_ =	sfence.sel $0xFFFF  }
0xbf: {  	[dreg:$0x0] =	wrdreg $0xFFFFFFFF;
	(pc) =	sbr.abs _section_cstart, $3  }
0xc0: {  	[dreg:$0x1] =	wrdreg $0xFFFFFFFF  }
0xc1: {  	_ =	task.clear_ibuf [dreg:s6], $0x2FFFF;
	_ =	strace $0x9FFFFFFF  }
0xc2: {  	(tm) =	ssettm $0x7FFFFFFF  }
0xc3: {  	_ =	shalt  }
tec
execute0_lowered:
.L_overlay_start_1:
0x0: {  	(tag) =	ssettag $0x1  }
0x1: {  	s10 =	rddreg [dreg:$0x0]  }
0x2: {  	s1 =	rddreg [dreg:$0x1];
	s2 =	simm.s32 $0x0  }
0x3: {  	s5 =	srdreg.scid;
	s3 =	stileid.u32;
	s14 =	simm.s32 $0xBB800  }
0x4: {  	s17 =	simm.s32 $0x2000;
	s18 =	simm.s32 $0x80;
	s19 =	simm.s32 $0x5C00  }
0x5: {  	s20 =	simm.s32 $0x1;
	s21 =	simm.s32 $0x2;
	s22 =	simm.s32 $0x1C00  }
0x6: {  	s23 =	simm.s32 $0xD00;
	s24 =	simm.s32 $0x1C80;
	s25 =	simm.s32 $0xD80  }
0x7: {  	s26 =	simm.s32 $0x1D00;
	s28 =	simm.s32 $0x1D80;
	[smem:$0x7FF] =	sst s2  }
0x8: {  	s4 =	sadd.s32 $0x21000, s10;
	s9 =	sand.u32 $0x1, s5;
	s5 =	sadd.s32 $0x7C000, s10  }
0x9: {  	s11 =	smul.u32 $0x4F000, s3;
	s6 =	sadd.s32 $0x70000, s10;
	s7 =	sadd.s32 $0x1E800, s10  }
0xa: {  	s31 =	sshll.u32 s3, $0x6;
	s15 =	smul.u32 $0x2780, s3;
	_ =	strace $0x8000004A  }
0xb: {  	s8 =	ssub.s32 $0x2, s9;
	s13 =	smul.u32 $0x60000, s9;
	p0 =	seq.s32 s9, $0x1  }
0xc: {  	s9 =	sor.u32 $0x1C03, s31;
	s12 =	sshrl.u32 s8, $0x1;
	s11 =	sshrl.u32 s11, $0x2  }
0xd: {  	s14 =	simm.s32 @!p0 $0x94000;
	s12 =	ssub.s32 s8, s12;
	s8 =	smul.u32 $0x6000, s3  }
0xe: {  	s16 =	sadd.s32 s11, s1;
	s14 =	sadd.s32 s14, s10;
	s11 =	smax.u32 s12, $0x1  }
0xf: {  	s12 =	sadd.s32 s14, s15;
	s14 =	simm.s32 $0x3;
	s15 =	simm.s32 $0x1000  }
0x10: {  	s10 =	sadd.s32 s13, s8;
	s13 =	sshrl.u32 s16, $0x3;
	s16 =	simm.s32 $0x78  }
.LBB2_1:
0x11: {  	[spmem:s13], [sflag:s9] =	dma.local [hbm:s7], $0x2780  }
0x12: {  	_ =	swait.ge [sflag:s14], $0x2780  }
0x13: {  	[sflag:s14] =	ssyncset.done $0x0  }
0x14: {  	[sflag:s14] =	ssyncadd.s32 $0xFFFFD880  }
0x15: {  	s29 =	simm.s32 $0x0;
	[bflag:$0x0] =	sbarrier.arrive $0xFFFF  }
.LBB2_2:
0x16: {  	s30 =	sshll.u32 s29, $0xC  }
0x17: {  	s31 =	sadd.s32 s10, s30  }
0x18: {  	s31 =	sshrl.u32 s31, $0x3  }
0x19: {  	s0 =	simm.s32 $0x0;
	s31 =	sadd.s32 s5, s31  }
0x1a: {  	[tilespmem:s0], [sflag:$0x3] =	stream.linear.gather [hbm4b:s31+s0], $0xE00, $0x38;
	[tilespmem:$0x1D400] =	vst v63  }
0x1b: {  	s30 =	sadd.s32 s8, s30;
	_ =	swait.ge [sflag:s14], $0xE00  }
0x1c: {  	s30 =	sshrl.u32 s30, $0x3;
	[sflag:s14] =	ssyncset.done $0x0  }
0x1d: {  	s30 =	sadd.s32 s6, s30;
	[sflag:s14] =	ssyncadd.s32 $0xFFFFF200  }
0x1e: {  	[tilespmem:s15], [sflag:$0x3] =	stream.linear.gather [hbm4b:s30+s0], $0xE00, $0x38;
	[tilespmem:$0x1D400] =	vst v63  }
0x1f: {  	_ =	swait.ge [sflag:s14], $0xE00  }
0x20: {  	[sflag:s14] =	ssyncset.done $0x0  }
0x21: {  	[sflag:s14] =	ssyncadd.s32 $0xFFFFF200  }
0x22: {  	[tilespmem:s17], [sflag:$0x1] =	stream.indirect.gather [hbm4b:s4+s16], $0x80, s0, s16, $0xb8;
	[tilespmem:$0x1D400] =	vst v63  }
0x23: {  	_ = 	snop  }
0x24: {  	[tilespmem:s19], [sflag:$0x2] =	stream.indirect.gather [hbm4b:s4+s16], $0x80, s18, s16, $0xb8;
	[tilespmem:$0x1D400] =	vst v63  }
0x25: {  	_ =	swait.ge [sflag:s20], $0x3C00  }
0x26: {  	[sflag:s20] =	ssyncset.done $0x0  }
0x27: {  	s0 =	simm.s32 $0x1000;
	[sflag:s20] =	ssyncadd.s32 $0xFFFFC400  }
0x28: {  	[spmem:s1] =	stream.indirect.scatter.add.f32 [tilespmem:s17], [sflag:$0x3], $0x80, s0, s16, $0xb8;
	[tilespmem:$0x1D400] =	vst v63  }
0x29: {  	_ =	swait.ge [sflag:s14], $0x3C00  }
0x2a: {  	[sflag:s14] =	ssyncset.done $0x0  }
0x2b: {  	s0 =	simm.s32 $0x100;
	[sflag:s14] =	ssyncadd.s32 $0xFFFFC400  }
0x2c: {  	[tilespmem:s17], [sflag:$0x1] =	stream.indirect.gather [hbm4b:s4+s16], $0x80, s0, s16, $0xb8;
	[tilespmem:$0x1D400] =	vst v63  }
0x2d: {  	_ =	swait.ge [sflag:s21], $0x3C00  }
0x2e: {  	[sflag:s21] =	ssyncset.done $0x0  }
0x2f: {  	s0 =	simm.s32 $0x1080;
	[sflag:s21] =	ssyncadd.s32 $0xFFFFC400  }
0x30: {  	[spmem:s1] =	stream.indirect.scatter.add.f32 [tilespmem:s19], [sflag:$0x3], $0x80, s0, s16, $0xb8;
	[tilespmem:$0x1D400] =	vst v63  }
0x31: {  	_ =	swait.ge [sflag:s14], $0x3C00  }
0x32: {  	[sflag:s14] =	ssyncset.done $0x0  }
0x33: {  	s31 =	simm.s32 $0x180;
	s30 =	simm.s32 $0x400;
	[sflag:s14] =	ssyncadd.s32 $0xFFFFC400  }
.LBB2_3:
0x34: {  	[tilespmem:s19], [sflag:$0x2] =	stream.indirect.gather [hbm4b:s4+s16], $0x80, s31, s16, $0xb8;
	[tilespmem:$0x1D400] =	vst v63  }
0x35: {  	s0 =	smov.u32 s30  }
0x36: {  	p0 =	sne.s32 s30, $0x2C00;
	s30 =	sadd.s32 $0x400, s30;
	_ =	swait.ge [sflag:s20], $0x3C00  }
0x37: {  	s0 =	sshra.s32 s0, $0x2;
	[sflag:s20] =	ssyncset.done $0x0  }
0x38: {  	s31 =	sadd.s32 $0x1000, s0;
	[sflag:s20] =	ssyncadd.s32 $0xFFFFC400  }
0x39: {  	[spmem:s1] =	stream.indirect.scatter.add.f32 [tilespmem:s17], [sflag:$0x3], $0x80, s31, s16, $0xb8;
	[tilespmem:$0x1D400] =	vst v63  }
0x3a: {  	_ =	swait.ge [sflag:s14], $0x3C00  }
0x3b: {  	[sflag:s14] =	ssyncset.done $0x0  }
0x3c: {  	s31 =	sadd.s32 $0x100, s0;
	[sflag:s14] =	ssyncadd.s32 $0xFFFFC400  }
0x3d: {  	[tilespmem:s17], [sflag:$0x1] =	stream.indirect.gather [hbm4b:s4+s16], $0x80, s31, s16, $0xb8;
	[tilespmem:$0x1D400] =	vst v63  }
0x3e: {  	_ =	swait.ge [sflag:s21], $0x3C00  }
0x3f: {  	[sflag:s21] =	ssyncset.done $0x0  }
.Ltmp0:
0x40: {  	s31 =	sadd.s32 $0x1080, s0;
	[sflag:s21] =	ssyncadd.s32 $0xFFFFC400;
	(pc) =	sbr.rel @p0 .LBB2_3-.Ltmp0, $4  }
0x41: {  	[spmem:s1] =	stream.indirect.scatter.add.f32 [tilespmem:s19], [sflag:$0x3], $0x80, s31, s16, $0xb8;
	[tilespmem:$0x1D400] =	vst v63  }
0x42: {  	_ =	swait.ge [sflag:s14], $0x3C00  }
0x43: {  	[sflag:s14] =	ssyncset.done $0x0  }
0x44: {  	s31 =	sadd.s32 $0x180, s0;
	[sflag:s14] =	ssyncadd.s32 $0xFFFFC400  }
0x45: {  	[tilespmem:s19], [sflag:$0x2] =	stream.indirect.gather [hbm4b:s4+s16], $0x80, s31, s16, $0xb8;
	[tilespmem:$0x1D400] =	vst v63  }
0x46: {  	_ =	swait.ge [sflag:s20], $0x3C00  }
0x47: {  	[sflag:s20] =	ssyncset.done $0x0  }
0x48: {  	[sflag:s20] =	ssyncadd.s32 $0xFFFFC400  }
0x49: {  	[spmem:s1] =	stream.indirect.scatter.add.f32 [tilespmem:s17], [sflag:$0x3], $0x80, s22, s16, $0xb8;
	[tilespmem:$0x1D400] =	vst v63  }
0x4a: {  	_ =	swait.ge [sflag:s14], $0x3C00  }
0x4b: {  	[sflag:s14] =	ssyncset.done $0x0  }
0x4c: {  	[sflag:s14] =	ssyncadd.s32 $0xFFFFC400  }
0x4d: {  	[tilespmem:s17], [sflag:$0x1] =	stream.indirect.gather [hbm4b:s4+s16], $0x80, s23, s16, $0xb8;
	[tilespmem:$0x1D400] =	vst v63  }
0x4e: {  	_ =	swait.ge [sflag:s21], $0x3C00  }
0x4f: {  	[sflag:s21] =	ssyncset.done $0x0  }
0x50: {  	[sflag:s21] =	ssyncadd.s32 $0xFFFFC400  }
0x51: {  	[spmem:s1] =	stream.indirect.scatter.add.f32 [tilespmem:s19], [sflag:$0x3], $0x80, s24, s16, $0xb8;
	[tilespmem:$0x1D400] =	vst v63  }
0x52: {  	_ =	swait.ge [sflag:s14], $0x3C00  }
0x53: {  	[sflag:s14] =	ssyncset.done $0x0  }
0x54: {  	[sflag:s14] =	ssyncadd.s32 $0xFFFFC400  }
0x55: {  	[tilespmem:s19], [sflag:$0x2] =	stream.indirect.gather [hbm4b:s4+s16], $0x80, s25, s16, $0xb8;
	[tilespmem:$0x1D400] =	vst v63  }
0x56: {  	_ =	swait.ge [sflag:s20], $0x3C00  }
0x57: {  	[sflag:s20] =	ssyncset.done $0x0  }
0x58: {  	[sflag:s20] =	ssyncadd.s32 $0xFFFFC400  }
0x59: {  	[spmem:s1] =	stream.indirect.scatter.add.f32 [tilespmem:s17], [sflag:$0x3], $0x80, s26, s16, $0xb8;
	[tilespmem:$0x1D400] =	vst v63  }
0x5a: {  	_ =	swait.ge [sflag:s14], $0x3C00  }
0x5b: {  	[sflag:s14] =	ssyncset.done $0x0  }
0x5c: {  	[sflag:s14] =	ssyncadd.s32 $0xFFFFC400  }
0x5d: {  	[tilespmem:s17], [sflag:$0x1] =	stream.indirect.gather [hbm4b:s4+s16], $0x80, s25, s16, $0xb8;
	[tilespmem:$0x1D400] =	vst v63  }
0x5e: {  	_ =	swait.ge [sflag:s21], $0x3C00  }
0x5f: {  	[sflag:s21] =	ssyncset.done $0x0  }
0x60: {  	[sflag:s21] =	ssyncadd.s32 $0xFFFFC400  }
0x61: {  	[spmem:s1] =	stream.indirect.scatter.add.f32 [tilespmem:s19], [sflag:$0x3], $0x80, s28, s16, $0xb8;
	[tilespmem:$0x1D400] =	vst v63  }
0x62: {  	_ =	swait.ge [sflag:s14], $0x3C00  }
0x63: {  	[sflag:s14] =	ssyncset.done $0x0  }
0x64: {  	s29 =	sadd.s32 $0x1, s29;
	[sflag:s14] =	ssyncadd.s32 $0xFFFFC400  }
0x65: {  	[tilespmem:s19], [sflag:$0x2] =	stream.indirect.gather [hbm4b:s4+s16], $0x80, s25, s16, $0xb8;
	[tilespmem:$0x1D400] =	vst v63  }
0x66: {  	p0 =	sne.s32 s29, $0x6;
	_ =	swait.ge [sflag:s20], $0x3C00  }
.Ltmp1:
0x67: {  	[sflag:s20] =	ssyncset.done $0x0;
	(pc) =	sbr.rel @p0 .LBB2_2-.Ltmp1, $4  }
0x68: {  	[sflag:s20] =	ssyncadd.s32 $0xFFFFC400  }
0x69: {  	_ =	swait.ge [sflag:s21], $0x3C00  }
0x6a: {  	[sflag:s21] =	ssyncset.done $0x0  }
0x6b: {  	[sflag:s21] =	ssyncadd.s32 $0xFFFFC400  }
0x6c: {  	s2 =	sadd.s32 $0x1, s2  }
0x6d: {  	p0 =	sne.s32 s2, s11  }
.Ltmp2:
0x6e: {  	[bflag:$0x0] =	sbarrier.arrive $0xFFFF;
	(pc) =	sbr.rel @p0 .LBB2_1-.Ltmp2, $4  }
0x6f: {  	[hbm:s12], [sflag:s9] =	dma.local [spmem:s13], $0x2780  }
0x70: {  	_ =	swait.ge [sflag:s14], $0x2780  }
0x71: {  	[sflag:s14] =	ssyncset.done $0x0  }
0x72: {  	[sflag:s14] =	ssyncadd.s32 $0xFFFFD880  }
0x73: {  	_ =	sfence.sel $0x180000  }
0x74: {  	[bflag:$0x0] =	sbarrier.arrive $0xFFFF  }
0x75: {  	_ =	strace $0x9000004A  }
0x76: {  	[bflag:$0x2] =	sbarrier.arrive $0xFFFF  }
0x77: {  	p0 =	sne.s32 s3, $0x0;
	s0 =	rddreg [dreg:$0x2]  }
0x78: {  	s0 =	sadd.s32 @!p0 $0x100000, s0  }
0x79: {  	[sflag:s0] =	ssyncadd.tile.s32 @!p0 $0x1;
	_ =	shalt  }
.Lfunc_end2:
_tile_overlayer_lowered:
.L_overlay_start_2:
0x7a: {  	(tag) =	ssettag $0x2  }
0x7b: {  	s0 =	rddreg [dreg:$0x0];
	s2 =	stileid.u32  }
0x7c: {  	s1 =	rddreg [dreg:$0x1];
	p0 =	sne.s32 s2, $0x0  }
0x7d: {  	s3 =	rddreg [dreg:$0x2];
	[bflag:$0x3] =	sbarrier.arrive $0xFFFF;
	s2 =	simm.s32 @!p0 $0x1C03  }
0x7e: {  	[timem:s3], [sflag:s2] =	dma.local @!p0 [hbm:s0], s1  }
0x7f: {  	s0 =	simm.s32 @!p0 $0x3  }
0x80: {  	_ =	swait.ge @!p0 [sflag:s0], s1  }
0x81: {  	s1 =	ssub.s32 @!p0 $0x0, s1;
	[sflag:s0] =	ssyncset.done @!p0 $0x0  }
0x82: {  	[sflag:s0] =	ssyncadd.s32 @!p0 s1  }
0x83: {  	[bflag:$0x3] =	sbarrier.arrive $0xFFFF  }
0x84: {  	_ =	shalt  }

// kernel: kernel.15.cloned.1.call-start
scs
__scs_entry_jumppad:
0x0: {  	(pc) =	sbr.rel $0x88, $3  }
0x1: {  	(tag) =	ssettag $0x0;
	lr =	simm.s32 $0x1  }
0x2: {  	[smem:$0x3F82] =	sst lr;
	_ =	strace $0xD0000000  }
0x3: {  	_ = 	snop  }
0x4: {  	_ = 	snop  }
0x5: {  	_ = 	snop  }
0x6: {  	_ = 	snop  }
0x7: {  	_ = 	snop  }
__scs_overlays_trampoline_lowered:
0x8: {  	[smem:$0x3F91] =	sst s0  }
0x9: {  	[smem:$0x3F92] =	sst s1  }
0xa: {  	[smem:$0x3F93] =	sst s2  }
0xb: {  	[smem:$0x3F94] =	sst s3  }
0xc: {  	[smem:$0x3F95] =	sst s4  }
0xd: {  	[smem:$0x3F96] =	sst s5  }
0xe: {  	[smem:$0x3F97] =	sst s6  }
0xf: {  	[smem:$0x3F98] =	sst s7  }
0x10: {  	[smem:$0x3F99] =	sst s8  }
0x11: {  	[smem:$0x3F9A] =	sst s9;
	s0 =	simm.s32 @!p0 $0x0  }
0x12: {  	s1 =	sld [smem:$0x3F80];
	s0 =	simm.s32 @p0 $0x1  }
0x13: {  	[smem:$0x3F9B] =	sst s0;
	s0 =	simm.s32 @!p1 $0x0  }
0x14: {  	s2 =	sld [smem:$0x3F7F];
	s0 =	simm.s32 @p1 $0x1  }
0x15: {  	[smem:$0x3F9C] =	sst s0;
	s0 =	simm.s32 @!p2 $0x0  }
0x16: {  	s3 =	sld [smem:$0x3FDB];
	s0 =	simm.s32 @p2 $0x1  }
0x17: {  	s4 =	simm.s32 $0x1BF5;
	[smem:$0x3F9E] =	sst s0  }
0x18: {  	s0 =	sld [smem:$0x3F81];
	_ =	swait.ge [sflag:s4], $0x0  }
0x19: {  	s7 =	sld [smem:$0x3F82]  }
0x1a: {  	s8 =	sadd.s32 $0xFFFFE003, lr  }
0x1b: {  	s9 =	sadd.s32 $0xFFFFFEF7, lr;
	s5 =	simm.s32 $0xFFFFFFFF;
	p2 =	slt.u32 s8, $0xFFFFF086  }
0x1c: {  	p1 =	slt.u32 s9, $0xF7A;
	s5 =	simm.s32 @!p2 $0x0  }
0x1d: {  	s5 =	simm.s32 @p1 $0x1;
	p0 =	seq.s32 s7, s2  }
0x1e: {  	s7 =	smul.u32 @!p0 $0xF7A, s2;
	p2 =	seq.s32 @!p0 s5, $0x0  }
0x1f: {  	s9 =	smul.u32 $0xF7A, s1;
	s8 =	simm.s32 @!p0 $0x1BF5;
	p2 =	por !p2, p0  }
0x20: {  	[sflag:s8] =	ssyncset.s32 @!p0 $0xFFFFF086;
	s6 =	sadd.s32 @!p0 s3, s7;
	s7 =	simm.s32 @!p0 $0x108  }
0x21: {  	s3 =	sadd.s32 s3, s9;
	s6 =	sadd.s32 @!p0 $0x88, s6;
	s7 =	simm.s32 @p2 $0x1082  }
0x22: {  	[simem:s7], [sflag:s8] =	dma.local @!p0 [hbm:s6], $0xF7A  }
0x23: {  	s9 =	sor.u32 $0xD0000000, s2;
	s6 =	simm.s32 $0x108;
	_ =	swait.ge @!p0 [sflag:s8], $0x0  }
0x24: {  	s3 =	sadd.s32 $0x88, s3;
	s6 =	simm.s32 @!p1 $0x1082;
	[sflag:s4] =	ssyncset.s32 $0xFFFFF086  }
0x25: {  	[simem:s6], [sflag:s4] =	dma.local [hbm:s3], $0xF7A  }
0x26: {  	[smem:$0x3F82] =	sst s1;
	(tag) =	ssettag s2;
	_ =	strace s9  }
0x27: {  	s1 =	sld [smem:$0x3F92]  }
0x28: {  	s2 =	sld [smem:$0x3F93]  }
0x29: {  	s4 =	sld [smem:$0x3F95]  }
0x2a: {  	p0 =	seq.s32 s5, $0x0;
	s5 =	sld [smem:$0x3F96]  }
0x2b: {  	s6 =	sld [smem:$0x3F97]  }
0x2c: {  	s7 =	sld [smem:$0x3F98]  }
0x2d: {  	s3 =	simm.s32 $0x108;
	s8 =	sld [smem:$0x3F99]  }
0x2e: {  	s3 =	simm.s32 @!p0 $0x1082;
	s9 =	sld [smem:$0x3F9A]  }
0x2f: {  	lr =	sadd.s32 s0, s3;
	s0 =	sld [smem:$0x3F91]  }
0x30: {  	s3 =	sld [smem:$0x3F94]  }
0x31: {  	[smem:$0x3F9D] =	sst s10  }
0x32: {  	s10 =	sld [smem:$0x3F9B];
	_ =	sdelay $0x3  }
0x33: {  	p0 =	seq.s32 s10, $0x1;
	s10 =	sld [smem:$0x3F9D];
	_ =	sdelay $0x3  }
0x34: {  	[smem:$0x3F9D] =	sst s10  }
0x35: {  	s10 =	sld [smem:$0x3F9C];
	_ =	sdelay $0x3  }
0x36: {  	p1 =	seq.s32 s10, $0x1;
	s10 =	sld [smem:$0x3F9D];
	_ =	sdelay $0x3  }
0x37: {  	[smem:$0x3F9D] =	sst s10  }
0x38: {  	s10 =	sld [smem:$0x3F9E]  }
0x39: {  	_ = 	snop;
	(pc) =	sbr.ind lr, $3  }
0x3a: {  	_ = 	snop  }
0x3b: {  	_ = 	snop  }
0x3c: {  	p2 =	seq.s32 s10, $0x1;
	s10 =	sld [smem:$0x3F9D]  }
0x3d: {  	_ =	shalt  }
0x3e: {  	_ =	shalt  }
0x3f: {  	_ =	shalt  }
0x40: {  	_ =	shalt  }
0x41: {  	_ =	shalt  }
0x42: {  	_ =	shalt  }
0x43: {  	_ =	shalt  }
0x44: {  	_ =	shalt  }
0x45: {  	_ =	shalt  }
0x46: {  	_ =	shalt  }
0x47: {  	_ =	shalt  }
0x48: {  	_ =	shalt  }
0x49: {  	_ =	shalt  }
0x4a: {  	_ =	shalt  }
0x4b: {  	_ =	shalt  }
0x4c: {  	_ =	shalt  }
0x4d: {  	_ =	shalt  }
0x4e: {  	_ =	shalt  }
0x4f: {  	_ =	shalt  }
0x50: {  	_ =	shalt  }
0x51: {  	_ =	shalt  }
0x52: {  	_ =	shalt  }
0x53: {  	_ =	shalt  }
0x54: {  	_ =	shalt  }
0x55: {  	_ =	shalt  }
0x56: {  	_ =	shalt  }
0x57: {  	_ =	shalt  }
0x58: {  	_ =	shalt  }
0x59: {  	_ =	shalt  }
0x5a: {  	_ =	shalt  }
0x5b: {  	_ =	shalt  }
0x5c: {  	_ =	shalt  }
0x5d: {  	_ =	shalt  }
0x5e: {  	_ =	shalt  }
0x5f: {  	_ =	shalt  }
0x60: {  	_ =	shalt  }
0x61: {  	_ =	shalt  }
0x62: {  	_ =	shalt  }
0x63: {  	_ =	shalt  }
0x64: {  	_ =	shalt  }
0x65: {  	_ =	shalt  }
0x66: {  	_ =	shalt  }
0x67: {  	_ =	shalt  }
0x68: {  	_ =	shalt  }
0x69: {  	_ =	shalt  }
0x6a: {  	_ =	shalt  }
0x6b: {  	_ =	shalt  }
0x6c: {  	_ =	shalt  }
0x6d: {  	_ =	shalt  }
0x6e: {  	_ =	shalt  }
0x6f: {  	_ =	shalt  }
0x70: {  	_ =	shalt  }
0x71: {  	_ =	shalt  }
0x72: {  	_ =	shalt  }
0x73: {  	_ =	shalt  }
0x74: {  	_ =	shalt  }
0x75: {  	_ =	shalt  }
0x76: {  	_ =	shalt  }
0x77: {  	_ =	shalt  }
0x78: {  	_ =	shalt  }
0x79: {  	_ =	shalt  }
0x7a: {  	_ =	shalt  }
0x7b: {  	_ =	shalt  }
0x7c: {  	_ =	shalt  }
0x7d: {  	_ =	shalt  }
0x7e: {  	_ =	shalt  }
0x7f: {  	_ =	shalt  }
0x80: {  	_ =	shalt  }
0x81: {  	_ =	shalt  }
0x82: {  	_ =	shalt  }
0x83: {  	_ =	shalt  }
0x84: {  	_ =	shalt  }
0x85: {  	_ =	shalt  }
0x86: {  	_ =	shalt  }
0x87: {  	_ =	shalt  }
.Lfunc_end0:
.L_simem_size_0:
called_computation.2_lowered:
.L_overlay_start_0:
0x88: {  	s2 =	sld [smem:$0x3FD9]  }
0x89: {  	s3 =	sld [smem:$0x3FFE];
	_ =	sdelay $0x1  }
0x8a: {  	s1 =	srdreg.scid  }
0x8b: {  	s0 =	sand.u32 $0x1, s1  }
0x8c: {  	s16 =	sshll.u32 s0, $0xA;
	s2 =	sadd.s32 s3, s2  }
0x8d: {  	s2 =	sadd.s32 s2, s16  }
0x8e: {  	[smem:$0x3FA9] =	sst s2  }
0x8f: {  	_ = 	snop  }
0x90: {  	(tm) =	ssettm $0x1  }
0x91: {  	s17 =	sld [smem:$0x3FFB];
	_ =	sdelay $0x3  }
0x92: {  	_ =	strace s17  }
0x93: {  	s2 =	sld [smem:$0x3FFC];
	_ =	sdelay $0x3  }
0x94: {  	_ =	strace s2  }
0x95: {  	s2 =	sld [smem:$0x3FFD];
	_ =	sdelay $0x3  }
0x96: {  	_ =	strace s2  }
0x97: {  	_ =	strace $0x8FFFFFFF  }
0x98: {  	s18 =	sld [smem:$0x3FDB];
	_ =	sdelay $0x1  }
0x99: {  	s19 =	simm.s32 $_scs_section_size  }
0x9a: {  	s4 =	simm.s32 $_size__tile_overlayer_lowered;
	s5 =	simm.s32 $_tile_overlayer_lowered  }
0x9b: {  	s22 =	simm.s32 $0x1BFF;
	s21 =	sshll.u32 s5, $0x1;
	s2 =	sadd.s32 s19, s18  }
0x9c: {  	s6 =	simm.s32 $0x0;
	s20 =	sshll.u32 s4, $0x1;
	s4 =	sadd.s32 s21, s2  }
0x9d: {  	[timem:s6], [sflag:s22] =	dma.local [hbm:s4], s20  }
0x9e: {  	_ =	swait.ge [sflag:s22], s20  }
0x9f: {  	s3 =	ssub.s32 $0x0, s20;
	[sflag:s22] =	ssyncset.done $0x0  }
0xa0: {  	[sflag:s22] =	ssyncadd.s32 s3;
	_ =	sdelay $0x1  }
0xa1: {  	s23 =	simm.s32 $0x1B8B  }
0xa2: {  	_ =	swait.ge [sflag:s23], $0x1  }
0xa3: {  	[sflag:s23] =	ssyncset.done $0x0  }
0xa4: {  	s25 =	simm.s32 $0x1B8E;
	s24 =	sld [smem:$0x3FFE];
	[sflag:s23] =	ssyncadd.s32 $0xFFFFFFFF  }
0xa5: {  	s26 =	simm.s32 $execute0_lowered;
	[smem:$0x3FD2] =	sst s25  }
0xa6: {  	s4 =	sshll.u32 s26, $0x1;
	_ =	strace $0x8000004C;
	[dreg:$0x1] =	wrdreg $0xFFFFFFFF  }
0xa7: {  	s28 =	simm.s32 $_size_execute0_lowered;
	s2 =	sadd.s32 s2, s4;
	[dreg:$0x0] =	wrdreg $0x0  }
0xa8: {  	s4 =	sshll.u32 s28, $0x1;
	[dreg:$0x2] =	wrdreg s2  }
0xa9: {  	[dreg:$0x3] =	wrdreg s4  }
0xaa: {  	[dreg:$0x4] =	wrdreg $0xC0  }
0xab: {  	_ =	task [dreg:s6], $0x5FFFF  }
0xac: {  	[dreg:$0x1] =	wrdreg $0xFFFFFFFF  }
0xad: {  	[dreg:$0x0] =	wrdreg $0x60  }
0xae: {  	[dreg:$0x2] =	wrdreg s24  }
0xaf: {  	[dreg:$0x3] =	wrdreg $0x98000  }
0xb0: {  	[dreg:$0x4] =	wrdreg $0x9  }
0xb1: {  	_ =	task.clear_ibuf [dreg:s6], $0x5FFFF;
	_ =	strace $0x9000004C  }
0xb2: {  	s29 =	simm.s32 $0x9;
	_ =	strace $0x8000004E  }
0xb3: {  	_ =	swait.ge [sflag:s29], $0x1  }
0xb4: {  	[sflag:s29] =	ssyncadd.s32 $0xFFFFFFFF  }
0xb5: {  	_ =	strace $0x9000004E  }
0xb6: {  	_ =	sfence  }
0xb7: {  	s30 =	sld [smem:$0x0];
	_ =	sdelay $0x2  }
0xb8: {  	s31 =	sshll.u32 s1, $0xD;
	s1 =	sshrl.u32 s1, $0x2  }
0xb9: {  	s3 =	sand.u32 $0x4000, s31;
	s1 =	sadd.s32 s1, s30  }
0xba: {  	s0 =	sor.u32 s3, s0;
	s1 =	sshll.u32 s1, $0x11  }
0xbb: {  	s0 =	sor.u32 s1, s0  }
0xbc: {  	s0 =	sadd.s32 $0x8F2B, s0  }
0xbd: {  	[sflag:s0] =	ssyncadd.remote.s32 $0x1  }
0xbe: {  	_ =	sfence.sel $0xFFFF  }
0xbf: {  	[dreg:$0x0] =	wrdreg $0xFFFFFFFF;
	(pc) =	sbr.abs _section_cstart, $3  }
0xc0: {  	[dreg:$0x1] =	wrdreg $0xFFFFFFFF  }
0xc1: {  	_ =	task.clear_ibuf [dreg:s6], $0x2FFFF;
	_ =	strace $0x9FFFFFFF  }
0xc2: {  	(tm) =	ssettm $0x7FFFFFFF  }
0xc3: {  	_ =	shalt  }
tec
execute0_lowered:
.L_overlay_start_1:
0x0: {  	(tag) =	ssettag $0x1  }
0x1: {  	s10 =	rddreg [dreg:$0x0]  }
0x2: {  	s1 =	rddreg [dreg:$0x1];
	s2 =	simm.s32 $0x0  }
0x3: {  	s5 =	srdreg.scid;
	s3 =	stileid.u32;
	s14 =	simm.s32 $0xBB800  }
0x4: {  	s17 =	simm.s32 $0x2000;
	s18 =	simm.s32 $0x80;
	s19 =	simm.s32 $0x5C00  }
0x5: {  	s20 =	simm.s32 $0x1;
	s21 =	simm.s32 $0x2;
	s22 =	simm.s32 $0x1C00  }
0x6: {  	s23 =	simm.s32 $0xD00;
	s24 =	simm.s32 $0x1C80;
	s25 =	simm.s32 $0xD80  }
0x7: {  	s26 =	simm.s32 $0x1D00;
	s28 =	simm.s32 $0x1D80;
	[smem:$0x7FF] =	sst s2  }
0x8: {  	s4 =	sadd.s32 $0x21000, s10;
	s9 =	sand.u32 $0x1, s5;
	s5 =	sadd.s32 $0x7C000, s10  }
0x9: {  	s11 =	smul.u32 $0x4F000, s3;
	s6 =	sadd.s32 $0x70000, s10;
	s7 =	sadd.s32 $0x1E800, s10  }
0xa: {  	s31 =	sshll.u32 s3, $0x6;
	s15 =	smul.u32 $0x2780, s3;
	_ =	strace $0x8000004D  }
0xb: {  	s8 =	ssub.s32 $0x2, s9;
	s13 =	smul.u32 $0x60000, s9;
	p0 =	seq.s32 s9, $0x1  }
0xc: {  	s9 =	sor.u32 $0x1C03, s31;
	s12 =	sshrl.u32 s8, $0x1;
	s11 =	sshrl.u32 s11, $0x2  }
0xd: {  	s14 =	simm.s32 @!p0 $0x94000;
	s12 =	ssub.s32 s8, s12;
	s8 =	smul.u32 $0x6000, s3  }
0xe: {  	s16 =	sadd.s32 s11, s1;
	s14 =	sadd.s32 s14, s10;
	s11 =	smax.u32 s12, $0x1  }
0xf: {  	s12 =	sadd.s32 s14, s15;
	s14 =	simm.s32 $0x3;
	s15 =	simm.s32 $0x1000  }
0x10: {  	s10 =	sadd.s32 s13, s8;
	s13 =	sshrl.u32 s16, $0x3;
	s16 =	simm.s32 $0x78  }
.LBB2_1:
0x11: {  	[spmem:s13], [sflag:s9] =	dma.local [hbm:s7], $0x2780  }
0x12: {  	_ =	swait.ge [sflag:s14], $0x2780  }
0x13: {  	[sflag:s14] =	ssyncset.done $0x0  }
0x14: {  	[sflag:s14] =	ssyncadd.s32 $0xFFFFD880  }
0x15: {  	s29 =	simm.s32 $0x0;
	[bflag:$0x0] =	sbarrier.arrive $0xFFFF  }
.LBB2_2:
0x16: {  	s30 =	sshll.u32 s29, $0xC  }
0x17: {  	s31 =	sadd.s32 s10, s30  }
0x18: {  	s31 =	sshrl.u32 s31, $0x3  }
0x19: {  	s0 =	simm.s32 $0x0;
	s31 =	sadd.s32 s5, s31  }
0x1a: {  	[tilespmem:s0], [sflag:$0x3] =	stream.linear.gather [hbm4b:s31+s0], $0xE00, $0x38;
	[tilespmem:$0x1D400] =	vst v63  }
0x1b: {  	s30 =	sadd.s32 s8, s30;
	_ =	swait.ge [sflag:s14], $0xE00  }
0x1c: {  	s30 =	sshrl.u32 s30, $0x3;
	[sflag:s14] =	ssyncset.done $0x0  }
0x1d: {  	s30 =	sadd.s32 s6, s30;
	[sflag:s14] =	ssyncadd.s32 $0xFFFFF200  }
0x1e: {  	[tilespmem:s15], [sflag:$0x3] =	stream.linear.gather [hbm4b:s30+s0], $0xE00, $0x38;
	[tilespmem:$0x1D400] =	vst v63  }
0x1f: {  	_ =	swait.ge [sflag:s14], $0xE00  }
0x20: {  	[sflag:s14] =	ssyncset.done $0x0  }
0x21: {  	[sflag:s14] =	ssyncadd.s32 $0xFFFFF200  }
0x22: {  	[tilespmem:s17], [sflag:$0x1] =	stream.indirect.gather [hbm4b:s4+s16], $0x80, s0, s16, $0xb8;
	[tilespmem:$0x1D400] =	vst v63  }
0x23: {  	_ = 	snop  }
0x24: {  	[tilespmem:s19], [sflag:$0x2] =	stream.indirect.gather [hbm4b:s4+s16], $0x80, s18, s16, $0xb8;
	[tilespmem:$0x1D400] =	vst v63  }
0x25: {  	_ =	swait.ge [sflag:s20], $0x3C00  }
0x26: {  	[sflag:s20] =	ssyncset.done $0x0  }
0x27: {  	s0 =	simm.s32 $0x1000;
	[sflag:s20] =	ssyncadd.s32 $0xFFFFC400  }
0x28: {  	[spmem:s1] =	stream.indirect.scatter.add.f32 [tilespmem:s17], [sflag:$0x3], $0x80, s0, s16, $0xb8;
	[tilespmem:$0x1D400] =	vst v63  }
0x29: {  	_ =	swait.ge [sflag:s14], $0x3C00  }
0x2a: {  	[sflag:s14] =	ssyncset.done $0x0  }
0x2b: {  	s0 =	simm.s32 $0x100;
	[sflag:s14] =	ssyncadd.s32 $0xFFFFC400  }
0x2c: {  	[tilespmem:s17], [sflag:$0x1] =	stream.indirect.gather [hbm4b:s4+s16], $0x80, s0, s16, $0xb8;
	[tilespmem:$0x1D400] =	vst v63  }
0x2d: {  	_ =	swait.ge [sflag:s21], $0x3C00  }
0x2e: {  	[sflag:s21] =	ssyncset.done $0x0  }
0x2f: {  	s0 =	simm.s32 $0x1080;
	[sflag:s21] =	ssyncadd.s32 $0xFFFFC400  }
0x30: {  	[spmem:s1] =	stream.indirect.scatter.add.f32 [tilespmem:s19], [sflag:$0x3], $0x80, s0, s16, $0xb8;
	[tilespmem:$0x1D400] =	vst v63  }
0x31: {  	_ =	swait.ge [sflag:s14], $0x3C00  }
0x32: {  	[sflag:s14] =	ssyncset.done $0x0  }
0x33: {  	s31 =	simm.s32 $0x180;
	s30 =	simm.s32 $0x400;
	[sflag:s14] =	ssyncadd.s32 $0xFFFFC400  }
.LBB2_3:
0x34: {  	[tilespmem:s19], [sflag:$0x2] =	stream.indirect.gather [hbm4b:s4+s16], $0x80, s31, s16, $0xb8;
	[tilespmem:$0x1D400] =	vst v63  }
0x35: {  	s0 =	smov.u32 s30  }
0x36: {  	p0 =	sne.s32 s30, $0x2C00;
	s30 =	sadd.s32 $0x400, s30;
	_ =	swait.ge [sflag:s20], $0x3C00  }
0x37: {  	s0 =	sshra.s32 s0, $0x2;
	[sflag:s20] =	ssyncset.done $0x0  }
0x38: {  	s31 =	sadd.s32 $0x1000, s0;
	[sflag:s20] =	ssyncadd.s32 $0xFFFFC400  }
0x39: {  	[spmem:s1] =	stream.indirect.scatter.add.f32 [tilespmem:s17], [sflag:$0x3], $0x80, s31, s16, $0xb8;
	[tilespmem:$0x1D400] =	vst v63  }
0x3a: {  	_ =	swait.ge [sflag:s14], $0x3C00  }
0x3b: {  	[sflag:s14] =	ssyncset.done $0x0  }
0x3c: {  	s31 =	sadd.s32 $0x100, s0;
	[sflag:s14] =	ssyncadd.s32 $0xFFFFC400  }
0x3d: {  	[tilespmem:s17], [sflag:$0x1] =	stream.indirect.gather [hbm4b:s4+s16], $0x80, s31, s16, $0xb8;
	[tilespmem:$0x1D400] =	vst v63  }
0x3e: {  	_ =	swait.ge [sflag:s21], $0x3C00  }
0x3f: {  	[sflag:s21] =	ssyncset.done $0x0  }
.Ltmp0:
0x40: {  	s31 =	sadd.s32 $0x1080, s0;
	[sflag:s21] =	ssyncadd.s32 $0xFFFFC400;
	(pc) =	sbr.rel @p0 .LBB2_3-.Ltmp0, $4  }
0x41: {  	[spmem:s1] =	stream.indirect.scatter.add.f32 [tilespmem:s19], [sflag:$0x3], $0x80, s31, s16, $0xb8;
	[tilespmem:$0x1D400] =	vst v63  }
0x42: {  	_ =	swait.ge [sflag:s14], $0x3C00  }
0x43: {  	[sflag:s14] =	ssyncset.done $0x0  }
0x44: {  	s31 =	sadd.s32 $0x180, s0;
	[sflag:s14] =	ssyncadd.s32 $0xFFFFC400  }
0x45: {  	[tilespmem:s19], [sflag:$0x2] =	stream.indirect.gather [hbm4b:s4+s16], $0x80, s31, s16, $0xb8;
	[tilespmem:$0x1D400] =	vst v63  }
0x46: {  	_ =	swait.ge [sflag:s20], $0x3C00  }
0x47: {  	[sflag:s20] =	ssyncset.done $0x0  }
0x48: {  	[sflag:s20] =	ssyncadd.s32 $0xFFFFC400  }
0x49: {  	[spmem:s1] =	stream.indirect.scatter.add.f32 [tilespmem:s17], [sflag:$0x3], $0x80, s22, s16, $0xb8;
	[tilespmem:$0x1D400] =	vst v63  }
0x4a: {  	_ =	swait.ge [sflag:s14], $0x3C00  }
0x4b: {  	[sflag:s14] =	ssyncset.done $0x0  }
0x4c: {  	[sflag:s14] =	ssyncadd.s32 $0xFFFFC400  }
0x4d: {  	[tilespmem:s17], [sflag:$0x1] =	stream.indirect.gather [hbm4b:s4+s16], $0x80, s23, s16, $0xb8;
	[tilespmem:$0x1D400] =	vst v63  }
0x4e: {  	_ =	swait.ge [sflag:s21], $0x3C00  }
0x4f: {  	[sflag:s21] =	ssyncset.done $0x0  }
0x50: {  	[sflag:s21] =	ssyncadd.s32 $0xFFFFC400  }
0x51: {  	[spmem:s1] =	stream.indirect.scatter.add.f32 [tilespmem:s19], [sflag:$0x3], $0x80, s24, s16, $0xb8;
	[tilespmem:$0x1D400] =	vst v63  }
0x52: {  	_ =	swait.ge [sflag:s14], $0x3C00  }
0x53: {  	[sflag:s14] =	ssyncset.done $0x0  }
0x54: {  	[sflag:s14] =	ssyncadd.s32 $0xFFFFC400  }
0x55: {  	[tilespmem:s19], [sflag:$0x2] =	stream.indirect.gather [hbm4b:s4+s16], $0x80, s25, s16, $0xb8;
	[tilespmem:$0x1D400] =	vst v63  }
0x56: {  	_ =	swait.ge [sflag:s20], $0x3C00  }
0x57: {  	[sflag:s20] =	ssyncset.done $0x0  }
0x58: {  	[sflag:s20] =	ssyncadd.s32 $0xFFFFC400  }
0x59: {  	[spmem:s1] =	stream.indirect.scatter.add.f32 [tilespmem:s17], [sflag:$0x3], $0x80, s26, s16, $0xb8;
	[tilespmem:$0x1D400] =	vst v63  }
0x5a: {  	_ =	swait.ge [sflag:s14], $0x3C00  }
0x5b: {  	[sflag:s14] =	ssyncset.done $0x0  }
0x5c: {  	[sflag:s14] =	ssyncadd.s32 $0xFFFFC400  }
0x5d: {  	[tilespmem:s17], [sflag:$0x1] =	stream.indirect.gather [hbm4b:s4+s16], $0x80, s25, s16, $0xb8;
	[tilespmem:$0x1D400] =	vst v63  }
0x5e: {  	_ =	swait.ge [sflag:s21], $0x3C00  }
0x5f: {  	[sflag:s21] =	ssyncset.done $0x0  }
0x60: {  	[sflag:s21] =	ssyncadd.s32 $0xFFFFC400  }
0x61: {  	[spmem:s1] =	stream.indirect.scatter.add.f32 [tilespmem:s19], [sflag:$0x3], $0x80, s28, s16, $0xb8;
	[tilespmem:$0x1D400] =	vst v63  }
0x62: {  	_ =	swait.ge [sflag:s14], $0x3C00  }
0x63: {  	[sflag:s14] =	ssyncset.done $0x0  }
0x64: {  	s29 =	sadd.s32 $0x1, s29;
	[sflag:s14] =	ssyncadd.s32 $0xFFFFC400  }
0x65: {  	[tilespmem:s19], [sflag:$0x2] =	stream.indirect.gather [hbm4b:s4+s16], $0x80, s25, s16, $0xb8;
	[tilespmem:$0x1D400] =	vst v63  }
0x66: {  	p0 =	sne.s32 s29, $0x6;
	_ =	swait.ge [sflag:s20], $0x3C00  }
.Ltmp1:
0x67: {  	[sflag:s20] =	ssyncset.done $0x0;
	(pc) =	sbr.rel @p0 .LBB2_2-.Ltmp1, $4  }
0x68: {  	[sflag:s20] =	ssyncadd.s32 $0xFFFFC400  }
0x69: {  	_ =	swait.ge [sflag:s21], $0x3C00  }
0x6a: {  	[sflag:s21] =	ssyncset.done $0x0  }
0x6b: {  	[sflag:s21] =	ssyncadd.s32 $0xFFFFC400  }
0x6c: {  	s2 =	sadd.s32 $0x1, s2  }
0x6d: {  	p0 =	sne.s32 s2, s11  }
.Ltmp2:
0x6e: {  	[bflag:$0x0] =	sbarrier.arrive $0xFFFF;
	(pc) =	sbr.rel @p0 .LBB2_1-.Ltmp2, $4  }
0x6f: {  	[hbm:s12], [sflag:s9] =	dma.local [spmem:s13], $0x2780  }
0x70: {  	_ =	swait.ge [sflag:s14], $0x2780  }
0x71: {  	[sflag:s14] =	ssyncset.done $0x0  }
0x72: {  	[sflag:s14] =	ssyncadd.s32 $0xFFFFD880  }
0x73: {  	_ =	sfence.sel $0x180000  }
0x74: {  	[bflag:$0x0] =	sbarrier.arrive $0xFFFF  }
0x75: {  	_ =	strace $0x9000004D  }
0x76: {  	[bflag:$0x2] =	sbarrier.arrive $0xFFFF  }
0x77: {  	p0 =	sne.s32 s3, $0x0;
	s0 =	rddreg [dreg:$0x2]  }
0x78: {  	s0 =	sadd.s32 @!p0 $0x100000, s0  }
0x79: {  	[sflag:s0] =	ssyncadd.tile.s32 @!p0 $0x1;
	_ =	shalt  }
.Lfunc_end2:
_tile_overlayer_lowered:
.L_overlay_start_2:
0x7a: {  	(tag) =	ssettag $0x2  }
0x7b: {  	s0 =	rddreg [dreg:$0x0];
	s2 =	stileid.u32  }
0x7c: {  	s1 =	rddreg [dreg:$0x1];
	p0 =	sne.s32 s2, $0x0  }
0x7d: {  	s3 =	rddreg [dreg:$0x2];
	[bflag:$0x3] =	sbarrier.arrive $0xFFFF;
	s2 =	simm.s32 @!p0 $0x1C03  }
0x7e: {  	[timem:s3], [sflag:s2] =	dma.local @!p0 [hbm:s0], s1  }
0x7f: {  	s0 =	simm.s32 @!p0 $0x3  }
0x80: {  	_ =	swait.ge @!p0 [sflag:s0], s1  }
0x81: {  	s1 =	ssub.s32 @!p0 $0x0, s1;
	[sflag:s0] =	ssyncset.done @!p0 $0x0  }
0x82: {  	[sflag:s0] =	ssyncadd.s32 @!p0 s1  }
0x83: {  	[bflag:$0x3] =	sbarrier.arrive $0xFFFF  }
0x84: {  	_ =	shalt  }

// kernel: kernel.9.cloned.1.call-start
scs
__scs_entry_jumppad:
0x0: {  	(pc) =	sbr.rel $0x88, $3  }
0x1: {  	(tag) =	ssettag $0x0;
	lr =	simm.s32 $0x1  }
0x2: {  	[smem:$0x3F82] =	sst lr;
	_ =	strace $0xD0000000  }
0x3: {  	_ = 	snop  }
0x4: {  	_ = 	snop  }
0x5: {  	_ = 	snop  }
0x6: {  	_ = 	snop  }
0x7: {  	_ = 	snop  }
__scs_overlays_trampoline_lowered:
0x8: {  	[smem:$0x3F91] =	sst s0  }
0x9: {  	[smem:$0x3F92] =	sst s1  }
0xa: {  	[smem:$0x3F93] =	sst s2  }
0xb: {  	[smem:$0x3F94] =	sst s3  }
0xc: {  	[smem:$0x3F95] =	sst s4  }
0xd: {  	[smem:$0x3F96] =	sst s5  }
0xe: {  	[smem:$0x3F97] =	sst s6  }
0xf: {  	[smem:$0x3F98] =	sst s7  }
0x10: {  	[smem:$0x3F99] =	sst s8  }
0x11: {  	[smem:$0x3F9A] =	sst s9;
	s0 =	simm.s32 @!p0 $0x0  }
0x12: {  	s1 =	sld [smem:$0x3F80];
	s0 =	simm.s32 @p0 $0x1  }
0x13: {  	[smem:$0x3F9B] =	sst s0;
	s0 =	simm.s32 @!p1 $0x0  }
0x14: {  	s2 =	sld [smem:$0x3F7F];
	s0 =	simm.s32 @p1 $0x1  }
0x15: {  	[smem:$0x3F9C] =	sst s0;
	s0 =	simm.s32 @!p2 $0x0  }
0x16: {  	s3 =	sld [smem:$0x3FDB];
	s0 =	simm.s32 @p2 $0x1  }
0x17: {  	s4 =	simm.s32 $0x1BF5;
	[smem:$0x3F9E] =	sst s0  }
0x18: {  	s0 =	sld [smem:$0x3F81];
	_ =	swait.ge [sflag:s4], $0x0  }
0x19: {  	s7 =	sld [smem:$0x3F82]  }
0x1a: {  	s8 =	sadd.s32 $0xFFFFE003, lr  }
0x1b: {  	s9 =	sadd.s32 $0xFFFFFEF7, lr;
	s5 =	simm.s32 $0xFFFFFFFF;
	p2 =	slt.u32 s8, $0xFFFFF086  }
0x1c: {  	p1 =	slt.u32 s9, $0xF7A;
	s5 =	simm.s32 @!p2 $0x0  }
0x1d: {  	s5 =	simm.s32 @p1 $0x1;
	p0 =	seq.s32 s7, s2  }
0x1e: {  	s7 =	smul.u32 @!p0 $0xF7A, s2;
	p2 =	seq.s32 @!p0 s5, $0x0  }
0x1f: {  	s9 =	smul.u32 $0xF7A, s1;
	s8 =	simm.s32 @!p0 $0x1BF5;
	p2 =	por !p2, p0  }
0x20: {  	[sflag:s8] =	ssyncset.s32 @!p0 $0xFFFFF086;
	s6 =	sadd.s32 @!p0 s3, s7;
	s7 =	simm.s32 @!p0 $0x108  }
0x21: {  	s3 =	sadd.s32 s3, s9;
	s6 =	sadd.s32 @!p0 $0x88, s6;
	s7 =	simm.s32 @p2 $0x1082  }
0x22: {  	[simem:s7], [sflag:s8] =	dma.local @!p0 [hbm:s6], $0xF7A  }
0x23: {  	s9 =	sor.u32 $0xD0000000, s2;
	s6 =	simm.s32 $0x108;
	_ =	swait.ge @!p0 [sflag:s8], $0x0  }
0x24: {  	s3 =	sadd.s32 $0x88, s3;
	s6 =	simm.s32 @!p1 $0x1082;
	[sflag:s4] =	ssyncset.s32 $0xFFFFF086  }
0x25: {  	[simem:s6], [sflag:s4] =	dma.local [hbm:s3], $0xF7A  }
0x26: {  	[smem:$0x3F82] =	sst s1;
	(tag) =	ssettag s2;
	_ =	strace s9  }
0x27: {  	s1 =	sld [smem:$0x3F92]  }
0x28: {  	s2 =	sld [smem:$0x3F93]  }
0x29: {  	s4 =	sld [smem:$0x3F95]  }
0x2a: {  	p0 =	seq.s32 s5, $0x0;
	s5 =	sld [smem:$0x3F96]  }
0x2b: {  	s6 =	sld [smem:$0x3F97]  }
0x2c: {  	s7 =	sld [smem:$0x3F98]  }
0x2d: {  	s3 =	simm.s32 $0x108;
	s8 =	sld [smem:$0x3F99]  }
0x2e: {  	s3 =	simm.s32 @!p0 $0x1082;
	s9 =	sld [smem:$0x3F9A]  }
0x2f: {  	lr =	sadd.s32 s0, s3;
	s0 =	sld [smem:$0x3F91]  }
0x30: {  	s3 =	sld [smem:$0x3F94]  }
0x31: {  	[smem:$0x3F9D] =	sst s10  }
0x32: {  	s10 =	sld [smem:$0x3F9B];
	_ =	sdelay $0x3  }
0x33: {  	p0 =	seq.s32 s10, $0x1;
	s10 =	sld [smem:$0x3F9D];
	_ =	sdelay $0x3  }
0x34: {  	[smem:$0x3F9D] =	sst s10  }
0x35: {  	s10 =	sld [smem:$0x3F9C];
	_ =	sdelay $0x3  }
0x36: {  	p1 =	seq.s32 s10, $0x1;
	s10 =	sld [smem:$0x3F9D];
	_ =	sdelay $0x3  }
0x37: {  	[smem:$0x3F9D] =	sst s10  }
0x38: {  	s10 =	sld [smem:$0x3F9E]  }
0x39: {  	_ = 	snop;
	(pc) =	sbr.ind lr, $3  }
0x3a: {  	_ = 	snop  }
0x3b: {  	_ = 	snop  }
0x3c: {  	p2 =	seq.s32 s10, $0x1;
	s10 =	sld [smem:$0x3F9D]  }
0x3d: {  	_ =	shalt  }
0x3e: {  	_ =	shalt  }
0x3f: {  	_ =	shalt  }
0x40: {  	_ =	shalt  }
0x41: {  	_ =	shalt  }
0x42: {  	_ =	shalt  }
0x43: {  	_ =	shalt  }
0x44: {  	_ =	shalt  }
0x45: {  	_ =	shalt  }
0x46: {  	_ =	shalt  }
0x47: {  	_ =	shalt  }
0x48: {  	_ =	shalt  }
0x49: {  	_ =	shalt  }
0x4a: {  	_ =	shalt  }
0x4b: {  	_ =	shalt  }
0x4c: {  	_ =	shalt  }
0x4d: {  	_ =	shalt  }
0x4e: {  	_ =	shalt  }
0x4f: {  	_ =	shalt  }
0x50: {  	_ =	shalt  }
0x51: {  	_ =	shalt  }
0x52: {  	_ =	shalt  }
0x53: {  	_ =	shalt  }
0x54: {  	_ =	shalt  }
0x55: {  	_ =	shalt  }
0x56: {  	_ =	shalt  }
0x57: {  	_ =	shalt  }
0x58: {  	_ =	shalt  }
0x59: {  	_ =	shalt  }
0x5a: {  	_ =	shalt  }
0x5b: {  	_ =	shalt  }
0x5c: {  	_ =	shalt  }
0x5d: {  	_ =	shalt  }
0x5e: {  	_ =	shalt  }
0x5f: {  	_ =	shalt  }
0x60: {  	_ =	shalt  }
0x61: {  	_ =	shalt  }
0x62: {  	_ =	shalt  }
0x63: {  	_ =	shalt  }
0x64: {  	_ =	shalt  }
0x65: {  	_ =	shalt  }
0x66: {  	_ =	shalt  }
0x67: {  	_ =	shalt  }
0x68: {  	_ =	shalt  }
0x69: {  	_ =	shalt  }
0x6a: {  	_ =	shalt  }
0x6b: {  	_ =	shalt  }
0x6c: {  	_ =	shalt  }
0x6d: {  	_ =	shalt  }
0x6e: {  	_ =	shalt  }
0x6f: {  	_ =	shalt  }
0x70: {  	_ =	shalt  }
0x71: {  	_ =	shalt  }
0x72: {  	_ =	shalt  }
0x73: {  	_ =	shalt  }
0x74: {  	_ =	shalt  }
0x75: {  	_ =	shalt  }
0x76: {  	_ =	shalt  }
0x77: {  	_ =	shalt  }
0x78: {  	_ =	shalt  }
0x79: {  	_ =	shalt  }
0x7a: {  	_ =	shalt  }
0x7b: {  	_ =	shalt  }
0x7c: {  	_ =	shalt  }
0x7d: {  	_ =	shalt  }
0x7e: {  	_ =	shalt  }
0x7f: {  	_ =	shalt  }
0x80: {  	_ =	shalt  }
0x81: {  	_ =	shalt  }
0x82: {  	_ =	shalt  }
0x83: {  	_ =	shalt  }
0x84: {  	_ =	shalt  }
0x85: {  	_ =	shalt  }
0x86: {  	_ =	shalt  }
0x87: {  	_ =	shalt  }
.Lfunc_end0:
.L_simem_size_0:
called_computation_lowered:
.L_overlay_start_0:
0x88: {  	s2 =	sld [smem:$0x3FD9]  }
0x89: {  	s3 =	sld [smem:$0x3FFE];
	_ =	sdelay $0x1  }
0x8a: {  	s1 =	srdreg.scid  }
0x8b: {  	s0 =	sand.u32 $0x1, s1  }
0x8c: {  	s17 =	sshll.u32 s0, $0xA;
	s2 =	sadd.s32 s3, s2  }
0x8d: {  	s2 =	sadd.s32 s2, s17  }
0x8e: {  	[smem:$0x3FA9] =	sst s2  }
0x8f: {  	_ = 	snop  }
0x90: {  	s2 =	sld [smem:$0x3FC9];
	(tm) =	ssettm $0x1  }
0x91: {  	s18 =	sld [smem:$0x3FFB];
	_ =	sdelay $0x3  }
0x92: {  	_ =	strace s18  }
0x93: {  	s3 =	sld [smem:$0x3FFC];
	_ =	sdelay $0x3  }
0x94: {  	_ =	strace s3  }
0x95: {  	s3 =	sld [smem:$0x3FFD];
	_ =	sdelay $0x3  }
0x96: {  	_ =	strace s3  }
0x97: {  	_ =	strace $0x8FFFFFFF  }
0x98: {  	s19 =	sld [smem:$0x3FDB];
	_ =	sdelay $0x1  }
0x99: {  	s4 =	simm.s32 $_scs_section_size  }
0x9a: {  	s5 =	simm.s32 $_size__tile_overlayer_lowered;
	s6 =	simm.s32 $_tile_overlayer_lowered  }
0x9b: {  	s22 =	simm.s32 $0x1BFF;
	s21 =	sshll.u32 s6, $0x1;
	s3 =	sadd.s32 s4, s19  }
0x9c: {  	s7 =	simm.s32 $0x0;
	s20 =	sshll.u32 s5, $0x1;
	s5 =	sadd.s32 s21, s3  }
0x9d: {  	[timem:s7], [sflag:s22] =	dma.local [hbm:s5], s20  }
0x9e: {  	_ =	swait.ge [sflag:s22], s20  }
0x9f: {  	s4 =	ssub.s32 $0x0, s20;
	[sflag:s22] =	ssyncset.done $0x0  }
0xa0: {  	[sflag:s22] =	ssyncadd.s32 s4;
	_ =	sdelay $0x1  }
0xa1: {  	s23 =	simm.s32 $0x1B8B  }
0xa2: {  	_ =	swait.ge [sflag:s23], $0x1  }
0xa3: {  	[sflag:s23] =	ssyncset.done $0x0  }
0xa4: {  	s25 =	simm.s32 $0x1B8E;
	s24 =	sld [smem:$0x3FFE];
	[sflag:s23] =	ssyncadd.s32 $0xFFFFFFFF  }
0xa5: {  	s26 =	simm.s32 $execute0_lowered;
	[smem:$0x3FD2] =	sst s25  }
0xa6: {  	s5 =	sshll.u32 s26, $0x1;
	_ =	strace $0x80000046;
	[dreg:$0x1] =	wrdreg $0xFFFFFFFF  }
0xa7: {  	s28 =	simm.s32 $_size_execute0_lowered;
	s3 =	sadd.s32 s3, s5;
	[dreg:$0x0] =	wrdreg $0x0  }
0xa8: {  	s5 =	sshll.u32 s28, $0x1;
	[dreg:$0x2] =	wrdreg s3  }
0xa9: {  	[dreg:$0x3] =	wrdreg s5  }
0xaa: {  	[dreg:$0x4] =	wrdreg $0xC0  }
0xab: {  	_ =	task [dreg:s7], $0x5FFFF  }
0xac: {  	[dreg:$0x1] =	wrdreg $0xFFFFFFFF  }
0xad: {  	[dreg:$0x0] =	wrdreg $0x60  }
0xae: {  	[dreg:$0x2] =	wrdreg s2  }
0xaf: {  	[dreg:$0x3] =	wrdreg s24  }
0xb0: {  	[dreg:$0x4] =	wrdreg $0x98000  }
0xb1: {  	[dreg:$0x5] =	wrdreg $0x9  }
0xb2: {  	_ =	task.clear_ibuf [dreg:s7], $0x6FFFF;
	_ =	strace $0x90000046  }
0xb3: {  	s29 =	simm.s32 $0x9;
	_ =	strace $0x80000048  }
0xb4: {  	_ =	swait.ge [sflag:s29], $0x1  }
0xb5: {  	[sflag:s29] =	ssyncadd.s32 $0xFFFFFFFF  }
0xb6: {  	_ =	strace $0x90000048  }
0xb7: {  	_ =	sfence  }
0xb8: {  	s30 =	sld [smem:$0x0];
	_ =	sdelay $0x2  }
0xb9: {  	s31 =	sshll.u32 s1, $0xD;
	s1 =	sshrl.u32 s1, $0x2  }
0xba: {  	s3 =	sand.u32 $0x4000, s31;
	s1 =	sadd.s32 s1, s30  }
0xbb: {  	s0 =	sor.u32 s3, s0;
	s1 =	sshll.u32 s1, $0x11  }
0xbc: {  	s0 =	sor.u32 s1, s0  }
0xbd: {  	s0 =	sadd.s32 $0x8F2B, s0  }
0xbe: {  	[sflag:s0] =	ssyncadd.remote.s32 $0x1  }
0xbf: {  	_ =	sfence.sel $0xFFFF  }
0xc0: {  	[dreg:$0x0] =	wrdreg $0xFFFFFFFF;
	(pc) =	sbr.abs _section_cstart, $3  }
0xc1: {  	[dreg:$0x1] =	wrdreg $0xFFFFFFFF  }
0xc2: {  	_ =	task.clear_ibuf [dreg:s7], $0x2FFFF;
	_ =	strace $0x9FFFFFFF  }
0xc3: {  	(tm) =	ssettm $0x7FFFFFFF  }
tec
execute0_lowered:
.L_overlay_start_1:
0x0: {  	(tag) =	ssettag $0x1  }
0x1: {  	s1 =	rddreg [dreg:$0x0]  }
0x2: {  	s9 =	rddreg [dreg:$0x1]  }
0x3: {  	s2 =	rddreg [dreg:$0x2]  }
0x4: {  	s0 =	rddreg [dreg:$0x3]  }
0x5: {  	s3 =	simm.s32 $0x0;
	s4 =	srdreg.scid;
	s15 =	simm.s32 $0x78  }
0x6: {  	s16 =	simm.s32 $0x2000;
	s17 =	simm.s32 $0x80;
	s18 =	simm.s32 $0x5C00  }
0x7: {  	s19 =	simm.s32 $0x1;
	s20 =	simm.s32 $0x2;
	s21 =	simm.s32 $0x1C00  }
0x8: {  	s22 =	simm.s32 $0xD00;
	s23 =	simm.s32 $0x1C80;
	s24 =	simm.s32 $0xD80  }
0x9: {  	s25 =	simm.s32 $0x1D00;
	s26 =	simm.s32 $0x1D80;
	[smem:$0x7FF] =	sst s3  }
0xa: {  	s5 =	sadd.s32 $0x6800, s9;
	s8 =	sand.u32 $0x1, s4;
	s6 =	sadd.s32 $0x12800, s9  }
0xb: {  	s4 =	stileid.u32;
	s7 =	sadd.s32 $0x1E800, s9;
	_ =	strace $0x80000047  }
0xc: {  	s10 =	ssub.s32 $0x2, s8;
	s12 =	sshll.u32 s8, $0x4;
	s13 =	smul.u32 $0x4F000, s4  }
0xd: {  	p0 =	seq.s32 s8, $0x1;
	s31 =	sshll.u32 s4, $0x6;
	s14 =	smul.u32 $0x2780, s4  }
0xe: {  	s11 =	sshrl.u32 s10, $0x1;
	s29 =	sor.u32 s4, s12;
	s8 =	sor.u32 $0x1C03, s31  }
0xf: {  	s10 =	ssub.s32 s10, s11;
	s30 =	sshrl.u32 s13, $0x2;
	s13 =	simm.s32 $0x48800  }
0x10: {  	s13 =	simm.s32 @!p0 $0x21000;
	s12 =	sadd.s32 s30, s2;
	s10 =	smax.u32 s10, $0x1  }
0x11: {  	s13 =	sadd.s32 s13, s9;
	s9 =	smul.u32 $0x3000, s29;
	s12 =	sshrl.u32 s12, $0x3  }
0x12: {  	s11 =	sadd.s32 s13, s14;
	s13 =	simm.s32 $0x3;
	s14 =	simm.s32 $0x1000  }
.LBB2_1:
0x13: {  	[spmem:s12], [sflag:s8] =	dma.local [hbm:s7], $0x2780  }
0x14: {  	_ =	swait.ge [sflag:s13], $0x2780  }
0x15: {  	[sflag:s13] =	ssyncset.done $0x0  }
0x16: {  	[sflag:s13] =	ssyncadd.s32 $0xFFFFD880  }
0x17: {  	s28 =	simm.s32 $0x0;
	[bflag:$0x0] =	sbarrier.arrive $0xFFFF  }
.LBB2_2:
0x18: {  	s29 =	sshll.u32 s28, $0xC  }
0x19: {  	s29 =	sadd.s32 s9, s29  }
0x1a: {  	s29 =	sshrl.u32 s29, $0x3  }
0x1b: {  	s31 =	simm.s32 $0x0;
	s30 =	sadd.s32 s5, s29  }
0x1c: {  	[tilespmem:s31], [sflag:$0x3] =	stream.linear.gather [hbm4b:s30+s31], $0xE00, $0x38;
	[tilespmem:$0x1D400] =	vst v63  }
0x1d: {  	_ =	swait.ge [sflag:s13], $0xE00  }
0x1e: {  	[sflag:s13] =	ssyncset.done $0x0  }
0x1f: {  	s29 =	sadd.s32 s6, s29;
	[sflag:s13] =	ssyncadd.s32 $0xFFFFF200  }
0x20: {  	[tilespmem:s14], [sflag:$0x3] =	stream.linear.gather [hbm4b:s29+s31], $0xE00, $0x38;
	[tilespmem:$0x1D400] =	vst v63  }
0x21: {  	_ =	swait.ge [sflag:s13], $0xE00  }
0x22: {  	[sflag:s13] =	ssyncset.done $0x0  }
0x23: {  	[sflag:s13] =	ssyncadd.s32 $0xFFFFF200  }
0x24: {  	[tilespmem:s16], [sflag:$0x1] =	stream.indirect.gather [hbm4b:s1+s15], $0x80, s31, s15, $0xb8;
	[tilespmem:$0x1D400] =	vst v63  }
0x25: {  	_ = 	snop  }
0x26: {  	[tilespmem:s18], [sflag:$0x2] =	stream.indirect.gather [hbm4b:s1+s15], $0x80, s17, s15, $0xb8;
	[tilespmem:$0x1D400] =	vst v63  }
0x27: {  	_ =	swait.ge [sflag:s19], $0x3C00  }
0x28: {  	[sflag:s19] =	ssyncset.done $0x0  }
0x29: {  	s29 =	simm.s32 $0x1000;
	[sflag:s19] =	ssyncadd.s32 $0xFFFFC400  }
0x2a: {  	[spmem:s2] =	stream.indirect.scatter.add.f32 [tilespmem:s16], [sflag:$0x3], $0x80, s29, s15, $0xb8;
	[tilespmem:$0x1D400] =	vst v63  }
0x2b: {  	_ =	swait.ge [sflag:s13], $0x3C00  }
0x2c: {  	[sflag:s13] =	ssyncset.done $0x0  }
0x2d: {  	s29 =	simm.s32 $0x100;
	[sflag:s13] =	ssyncadd.s32 $0xFFFFC400  }
0x2e: {  	[tilespmem:s16], [sflag:$0x1] =	stream.indirect.gather [hbm4b:s1+s15], $0x80, s29, s15, $0xb8;
	[tilespmem:$0x1D400] =	vst v63  }
0x2f: {  	_ =	swait.ge [sflag:s20], $0x3C00  }
0x30: {  	[sflag:s20] =	ssyncset.done $0x0  }
0x31: {  	s29 =	simm.s32 $0x1080;
	[sflag:s20] =	ssyncadd.s32 $0xFFFFC400  }
0x32: {  	[spmem:s2] =	stream.indirect.scatter.add.f32 [tilespmem:s18], [sflag:$0x3], $0x80, s29, s15, $0xb8;
	[tilespmem:$0x1D400] =	vst v63  }
0x33: {  	_ =	swait.ge [sflag:s13], $0x3C00  }
0x34: {  	[sflag:s13] =	ssyncset.done $0x0  }
0x35: {  	s30 =	simm.s32 $0x180;
	s29 =	simm.s32 $0x400;
	[sflag:s13] =	ssyncadd.s32 $0xFFFFC400  }
.LBB2_3:
0x36: {  	[tilespmem:s18], [sflag:$0x2] =	stream.indirect.gather [hbm4b:s1+s15], $0x80, s30, s15, $0xb8;
	[tilespmem:$0x1D400] =	vst v63  }
0x37: {  	s30 =	smov.u32 s29  }
0x38: {  	p0 =	sne.s32 s29, $0x2C00;
	s29 =	sadd.s32 $0x400, s29;
	_ =	swait.ge [sflag:s19], $0x3C00  }
0x39: {  	s30 =	sshra.s32 s30, $0x2;
	[sflag:s19] =	ssyncset.done $0x0  }
0x3a: {  	s31 =	sadd.s32 $0x1000, s30;
	[sflag:s19] =	ssyncadd.s32 $0xFFFFC400  }
0x3b: {  	[spmem:s2] =	stream.indirect.scatter.add.f32 [tilespmem:s16], [sflag:$0x3], $0x80, s31, s15, $0xb8;
	[tilespmem:$0x1D400] =	vst v63  }
0x3c: {  	_ =	swait.ge [sflag:s13], $0x3C00  }
0x3d: {  	[sflag:s13] =	ssyncset.done $0x0  }
0x3e: {  	s31 =	sadd.s32 $0x100, s30;
	[sflag:s13] =	ssyncadd.s32 $0xFFFFC400  }
0x3f: {  	[tilespmem:s16], [sflag:$0x1] =	stream.indirect.gather [hbm4b:s1+s15], $0x80, s31, s15, $0xb8;
	[tilespmem:$0x1D400] =	vst v63  }
0x40: {  	_ =	swait.ge [sflag:s20], $0x3C00  }
0x41: {  	[sflag:s20] =	ssyncset.done $0x0  }
.Ltmp0:
0x42: {  	s31 =	sadd.s32 $0x1080, s30;
	[sflag:s20] =	ssyncadd.s32 $0xFFFFC400;
	(pc) =	sbr.rel @p0 .LBB2_3-.Ltmp0, $4  }
0x43: {  	[spmem:s2] =	stream.indirect.scatter.add.f32 [tilespmem:s18], [sflag:$0x3], $0x80, s31, s15, $0xb8;
	[tilespmem:$0x1D400] =	vst v63  }
0x44: {  	_ =	swait.ge [sflag:s13], $0x3C00  }
0x45: {  	[sflag:s13] =	ssyncset.done $0x0  }
0x46: {  	s30 =	sadd.s32 $0x180, s30;
	[sflag:s13] =	ssyncadd.s32 $0xFFFFC400  }
0x47: {  	[tilespmem:s18], [sflag:$0x2] =	stream.indirect.gather [hbm4b:s1+s15], $0x80, s30, s15, $0xb8;
	[tilespmem:$0x1D400] =	vst v63  }
0x48: {  	_ =	swait.ge [sflag:s19], $0x3C00  }
0x49: {  	[sflag:s19] =	ssyncset.done $0x0  }
0x4a: {  	[sflag:s19] =	ssyncadd.s32 $0xFFFFC400  }
0x4b: {  	[spmem:s2] =	stream.indirect.scatter.add.f32 [tilespmem:s16], [sflag:$0x3], $0x80, s21, s15, $0xb8;
	[tilespmem:$0x1D400] =	vst v63  }
0x4c: {  	_ =	swait.ge [sflag:s13], $0x3C00  }
0x4d: {  	[sflag:s13] =	ssyncset.done $0x0  }
0x4e: {  	[sflag:s13] =	ssyncadd.s32 $0xFFFFC400  }
0x4f: {  	[tilespmem:s16], [sflag:$0x1] =	stream.indirect.gather [hbm4b:s1+s15], $0x80, s22, s15, $0xb8;
	[tilespmem:$0x1D400] =	vst v63  }
0x50: {  	_ =	swait.ge [sflag:s20], $0x3C00  }
0x51: {  	[sflag:s20] =	ssyncset.done $0x0  }
0x52: {  	[sflag:s20] =	ssyncadd.s32 $0xFFFFC400  }
0x53: {  	[spmem:s2] =	stream.indirect.scatter.add.f32 [tilespmem:s18], [sflag:$0x3], $0x80, s23, s15, $0xb8;
	[tilespmem:$0x1D400] =	vst v63  }
0x54: {  	_ =	swait.ge [sflag:s13], $0x3C00  }
0x55: {  	[sflag:s13] =	ssyncset.done $0x0  }
0x56: {  	[sflag:s13] =	ssyncadd.s32 $0xFFFFC400  }
0x57: {  	[tilespmem:s18], [sflag:$0x2] =	stream.indirect.gather [hbm4b:s1+s15], $0x80, s24, s15, $0xb8;
	[tilespmem:$0x1D400] =	vst v63  }
0x58: {  	_ =	swait.ge [sflag:s19], $0x3C00  }
0x59: {  	[sflag:s19] =	ssyncset.done $0x0  }
0x5a: {  	[sflag:s19] =	ssyncadd.s32 $0xFFFFC400  }
0x5b: {  	[spmem:s2] =	stream.indirect.scatter.add.f32 [tilespmem:s16], [sflag:$0x3], $0x80, s25, s15, $0xb8;
	[tilespmem:$0x1D400] =	vst v63  }
0x5c: {  	_ =	swait.ge [sflag:s13], $0x3C00  }
0x5d: {  	[sflag:s13] =	ssyncset.done $0x0  }
0x5e: {  	[sflag:s13] =	ssyncadd.s32 $0xFFFFC400  }
0x5f: {  	[tilespmem:s16], [sflag:$0x1] =	stream.indirect.gather [hbm4b:s1+s15], $0x80, s24, s15, $0xb8;
	[tilespmem:$0x1D400] =	vst v63  }
0x60: {  	_ =	swait.ge [sflag:s20], $0x3C00  }
0x61: {  	[sflag:s20] =	ssyncset.done $0x0  }
0x62: {  	[sflag:s20] =	ssyncadd.s32 $0xFFFFC400  }
0x63: {  	[spmem:s2] =	stream.indirect.scatter.add.f32 [tilespmem:s18], [sflag:$0x3], $0x80, s26, s15, $0xb8;
	[tilespmem:$0x1D400] =	vst v63  }
0x64: {  	_ =	swait.ge [sflag:s13], $0x3C00  }
0x65: {  	[sflag:s13] =	ssyncset.done $0x0  }
0x66: {  	s28 =	sadd.s32 $0x1, s28;
	[sflag:s13] =	ssyncadd.s32 $0xFFFFC400  }
0x67: {  	[tilespmem:s18], [sflag:$0x2] =	stream.indirect.gather [hbm4b:s1+s15], $0x80, s24, s15, $0xb8;
	[tilespmem:$0x1D400] =	vst v63  }
0x68: {  	p0 =	sne.s32 s28, $0x3;
	_ =	swait.ge [sflag:s19], $0x3C00  }
.Ltmp1:
0x69: {  	[sflag:s19] =	ssyncset.done $0x0;
	(pc) =	sbr.rel @p0 .LBB2_2-.Ltmp1, $4  }
0x6a: {  	[sflag:s19] =	ssyncadd.s32 $0xFFFFC400  }
0x6b: {  	_ =	swait.ge [sflag:s20], $0x3C00  }
0x6c: {  	[sflag:s20] =	ssyncset.done $0x0  }
0x6d: {  	[sflag:s20] =	ssyncadd.s32 $0xFFFFC400  }
0x6e: {  	s3 =	sadd.s32 $0x1, s3  }
0x6f: {  	p0 =	sne.s32 s3, s10  }
.Ltmp2:
0x70: {  	[bflag:$0x0] =	sbarrier.arrive $0xFFFF;
	(pc) =	sbr.rel @p0 .LBB2_1-.Ltmp2, $4  }
0x71: {  	[hbm:s11], [sflag:s8] =	dma.local [spmem:s12], $0x2780  }
0x72: {  	_ =	swait.ge [sflag:s13], $0x2780  }
0x73: {  	[sflag:s13] =	ssyncset.done $0x0  }
0x74: {  	[sflag:s13] =	ssyncadd.s32 $0xFFFFD880  }
0x75: {  	_ =	sfence.sel $0x180000  }
0x76: {  	[bflag:$0x0] =	sbarrier.arrive $0xFFFF  }
0x77: {  	p0 =	sne.s32 s4, $0x0;
	_ =	strace $0x90000047  }
0x78: {  	s0 =	sadd.s32 @!p0 $0x100000, s0;
	[bflag:$0x2] =	sbarrier.arrive $0xFFFF  }
0x79: {  	[sflag:s0] =	ssyncadd.tile.s32 @!p0 $0x1;
	_ =	shalt  }
.Lfunc_end2:
_tile_overlayer_lowered:
.L_overlay_start_2:
0x7a: {  	(tag) =	ssettag $0x2  }
0x7b: {  	s0 =	rddreg [dreg:$0x0];
	s2 =	stileid.u32  }
0x7c: {  	s1 =	rddreg [dreg:$0x1];
	p0 =	sne.s32 s2, $0x0  }
0x7d: {  	s3 =	rddreg [dreg:$0x2];
	[bflag:$0x3] =	sbarrier.arrive $0xFFFF;
	s2 =	simm.s32 @!p0 $0x1C03  }
0x7e: {  	[timem:s3], [sflag:s2] =	dma.local @!p0 [hbm:s0], s1  }
0x7f: {  	s0 =	simm.s32 @!p0 $0x3  }
0x80: {  	_ =	swait.ge @!p0 [sflag:s0], s1  }
0x81: {  	s1 =	ssub.s32 @!p0 $0x0, s1;
	[sflag:s0] =	ssyncset.done @!p0 $0x0  }
0x82: {  	[sflag:s0] =	ssyncadd.s32 @!p0 s1  }
0x83: {  	[bflag:$0x3] =	sbarrier.arrive $0xFFFF  }
0x84: {  	_ =	shalt  }

</sc_bundles>
